<compile_context>
chip_gen: v7x
topology: tpu7x:2x2x1
jax: 0.10.2.dev20260603
libtpu: 0.0.44.dev20260713+nightly
codegen_flags: <defaults>
</compile_context>

<pallas_src>
import jax
import jax.numpy as jnp
from jax import lax
from jax.experimental import pallas as pl
from jax.experimental.pallas import tpu as pltpu
from jax.experimental.pallas import tpu_sc as plsc

N_NODES = 10000
N_EDGES = 320000
D = 128
NC = 2
NS = 16
NW = NC * NS
NPAD = 10240
EPW = N_EDGES // NW
EPWP = 10240
RPS = NPAD // NS


def _mesh():
    return plsc.VectorSubcoreMesh(core_axis_name="c", subcore_axis_name="s")


def _deg_body(dst_hbm, out_hbm, dbuf, ones, zv, shared):
    c = lax.axis_index("c")
    s = lax.axis_index("s")
    w = c * NS + s

    def fill(i, _):
        ones[pl.ds(i * 16, 16)] = jnp.full((16,), 1.0, jnp.float32)
        zv[pl.ds(i * 16, 16)] = jnp.zeros((16,), jnp.float32)
        return 0

    lax.fori_loop(0, NPAD // 16, fill, 0)

    @pl.when(s == 0)
    def _():
        pltpu.sync_copy(zv, shared)

    plsc.subcore_barrier()
    pltpu.sync_copy(dst_hbm.at[pl.ds(w * EPW, EPW)], dbuf)
    pltpu.sync_copy(ones.at[pl.ds(0, EPW)], shared.at[dbuf], add=True)
    plsc.subcore_barrier()

    @pl.when(s == 0)
    def _():
        pltpu.sync_copy(shared, out_hbm.at[c])


def _k_deg(dst):
    f = pl.kernel(
        _deg_body,
        out_type=jax.ShapeDtypeStruct((NC, NPAD), jnp.float32),
        mesh=_mesh(),
        scratch_types=[
            pltpu.VMEM((EPW,), jnp.int32),
            pltpu.VMEM((NPAD,), jnp.float32),
            pltpu.VMEM((NPAD,), jnp.float32),
            pltpu.VMEM_SHARED((NPAD,), jnp.float32),
        ],
    )
    return f(dst)


HCHK = 128
NCH = EPWP // HCHK
LOOPN = NCH // 2
TAIL = NCH % 2


def _hop_body(u_hbm, src_hbm, dst_hbm, out_hbm, rows0, rows1, sb0, sb1,
              db0, db1, shared, gsem0, gsem1, ssem0, ssem1, isem0, isem1):
    c = lax.axis_index("c")
    s = lax.axis_index("s")
    w = c * NS + s
    ebase = w * EPWP
    zf = jnp.zeros((16,), jnp.float32)
    rbufs = (rows0, rows1)
    sbufs = (sb0, sb1)
    dbufs = (db0, db1)
    gsems = (gsem0, gsem1)
    ssems = (ssem0, ssem1)
    isems = (isem0, isem1)

    def zr(r, _):
        for f in range(D // 16):
            rows0[r, pl.ds(f * 16, 16)] = zf
        return 0

    lax.fori_loop(0, HCHK, zr, 0)

    def zs(i, _):
        pltpu.sync_copy(rows0, shared.at[pl.ds(s * RPS + i * HCHK, HCHK)])
        return 0

    lax.fori_loop(0, RPS // HCHK, zs, 0)
    plsc.subcore_barrier()

    def _idx_start(k, b):
        pltpu.async_copy(src_hbm.at[pl.ds(ebase + k * HCHK, HCHK)],
                         sbufs[b], isems[b])
        pltpu.async_copy(dst_hbm.at[pl.ds(ebase + k * HCHK, HCHK)],
                         dbufs[b], isems[b])

    def _gather_start(b):
        return pltpu.async_copy(u_hbm.at[sbufs[b]], rbufs[b], gsems[b])

    def _gather_wait(b):
        pltpu.make_async_copy(u_hbm.at[sbufs[b]], rbufs[b], gsems[b]).wait()

    def _scatter_start(b):
        return pltpu.async_copy(rbufs[b], shared.at[dbufs[b]], ssems[b],
                                add=True)

    def _scatter_wait(b):
        pltpu.make_async_copy(rbufs[b], shared.at[dbufs[b]], ssems[b]).wait()

    def _idx_wait(b):
        pltpu.make_async_copy(src_hbm.at[pl.ds(0, HCHK)], sbufs[b],
                              isems[b]).wait()
        pltpu.make_async_copy(dst_hbm.at[pl.ds(0, HCHK)], dbufs[b],
                              isems[b]).wait()

    _idx_start(0, 0)
    _idx_wait(0)
    _gather_start(0)
    _idx_start(1, 1)
    _idx_wait(1)
    _gather_start(1)

    def body(t, _):
        _gather_wait(0)
        _scatter_start(0)
        _gather_wait(1)
        _scatter_start(1)

        @pl.when(t < LOOPN - 1)
        def _():
            _scatter_wait(0)
            _idx_start(2 * t + 2, 0)
            _idx_wait(0)
            _gather_start(0)
            _scatter_wait(1)
            _idx_start(2 * t + 3, 1)
            _idx_wait(1)
            _gather_start(1)

        @pl.when(t >= LOOPN - 1)
        def _():
            _scatter_wait(0)
            _scatter_wait(1)

        return 0

    lax.fori_loop(0, LOOPN, body, 0)
    if TAIL:
        _idx_start(NCH - 1, 0)
        _idx_wait(0)
        _gather_start(0)
        _gather_wait(0)
        _scatter_start(0)
        _scatter_wait(0)
    plsc.subcore_barrier()
    pltpu.sync_copy(shared.at[pl.ds(s * RPS, RPS)],
                    out_hbm.at[c, pl.ds(s * RPS, RPS)])


def _k_hop(u, src, dst):
    f = pl.kernel(
        _hop_body,
        out_type=jax.ShapeDtypeStruct((NC, NPAD, D), jnp.float32),
        mesh=_mesh(),
        scratch_types=[
            pltpu.VMEM((HCHK, D), jnp.float32),
            pltpu.VMEM((HCHK, D), jnp.float32),
            pltpu.VMEM((HCHK,), jnp.int32),
            pltpu.VMEM((HCHK,), jnp.int32),
            pltpu.VMEM((HCHK,), jnp.int32),
            pltpu.VMEM((HCHK,), jnp.int32),
            pltpu.VMEM_SHARED((NPAD, D), jnp.float32),
            pltpu.SemaphoreType.DMA,
            pltpu.SemaphoreType.DMA,
            pltpu.SemaphoreType.DMA,
            pltpu.SemaphoreType.DMA,
            pltpu.SemaphoreType.DMA,
            pltpu.SemaphoreType.DMA,
        ],
    )
    return f(u, src, dst)


def _prep_kernel(x_ref, dp_ref, u_ref, dis_ref, inv_ref):
    deg = dp_ref[0] + dp_ref[1] + 1.0
    dis = lax.rsqrt(deg)
    dis_ref[...] = dis
    inv_ref[...] = 1.0 / deg
    u_ref[...] = x_ref[...] * dis[:, None]


def _k_prep(xp, degp):
    return pl.pallas_call(
        _prep_kernel,
        out_shape=[
            jax.ShapeDtypeStruct((NPAD, D), jnp.float32),
            jax.ShapeDtypeStruct((NPAD,), jnp.float32),
            jax.ShapeDtypeStruct((NPAD,), jnp.float32),
        ],
    )(xp, degp)


def _mid_kernel(p_ref, u_ref, inv_ref, w_ref):
    w_ref[...] = (p_ref[0] + p_ref[1] + u_ref[...]) * inv_ref[...]


def _k_mid(p, u, invdeg):
    blk = 2048
    return pl.pallas_call(
        _mid_kernel,
        grid=(NPAD // blk,),
        in_specs=[
            pl.BlockSpec((NC, blk, D), lambda i: (0, i, 0)),
            pl.BlockSpec((blk, D), lambda i: (i, 0)),
            pl.BlockSpec((blk, 1), lambda i: (i, 0)),
        ],
        out_specs=pl.BlockSpec((blk, D), lambda i: (i, 0)),
        out_shape=jax.ShapeDtypeStruct((NPAD, D), jnp.float32),
    )(p, u, invdeg.reshape(NPAD, 1))


def _fin_kernel(q_ref, w_ref, dis_ref, wt_ref, b_ref, o_ref):
    h2 = (q_ref[0] + q_ref[1] + w_ref[...]) * dis_ref[...]
    o_ref[...] = (
        jnp.dot(h2, wt_ref[...], preferred_element_type=jnp.float32)
        + b_ref[...]
    )


def _k_fin(q, w1, dis, W, b):
    blk = 2000
    return pl.pallas_call(
        _fin_kernel,
        grid=(N_NODES // blk,),
        in_specs=[
            pl.BlockSpec((NC, blk, D), lambda i: (0, i, 0)),
            pl.BlockSpec((blk, D), lambda i: (i, 0)),
            pl.BlockSpec((blk, 1), lambda i: (i, 0)),
            pl.BlockSpec((D, D), lambda i: (0, 0)),
            pl.BlockSpec((1, D), lambda i: (0, 0)),
        ],
        out_specs=pl.BlockSpec((blk, D), lambda i: (i, 0)),
        out_shape=jax.ShapeDtypeStruct((N_NODES, D), jnp.float32),
    )(q, w1, dis.reshape(NPAD, 1), W.T, b.reshape(1, D))


def kernel(x, edge_index, W, b):
    ei = edge_index.astype(jnp.int32)
    xp = jnp.pad(x, ((0, NPAD - N_NODES), (0, 0)))
    padv = jnp.broadcast_to(
        N_NODES + jnp.arange(EPWP - EPW, dtype=jnp.int32), (NW, EPWP - EPW))
    src = jnp.concatenate([ei[0].reshape(NW, EPW), padv], axis=1).reshape(-1)
    dst = jnp.concatenate([ei[1].reshape(NW, EPW), padv], axis=1).reshape(-1)
    degp = _k_deg(ei[1])
    u, dis, invdeg = _k_prep(xp, degp)
    p = _k_hop(u, src, dst)
    w1 = _k_mid(p, u, invdeg)
    q = _k_hop(w1, src, dst)
    return _k_fin(q, w1, dis, W, b)

# --- scband reference (transcript-rebuilt; emitter-appended) ---
"""Pipeline reference for scband-bi-sgcn-53996328845507 (READ-ONLY COPY).

The authoritative reference and input builder live on the scoring server;
editing this copy changes nothing except your own understanding.
"""

import jax, jax.numpy as jnp
import numpy as np

N_NODES = 10000
N_EDGES = 320000
D_IN = 128
D_OUT = 128
K_HOPS = 2


def setup_inputs(seed: int = 0) -> dict:
    key = jax.random.key(seed)
    k1, k2, k3 = jax.random.split(key, 3)
    x = jax.random.normal(k1, (N_NODES, D_IN), dtype=jnp.float32)
    edge_index = jax.random.randint(k2, (2, N_EDGES), 0, N_NODES, dtype=jnp.int64)
    # Linear layer params (SGConv: lin = Linear(in_c, out_c), weight [out_c, in_c])
    W = jax.random.normal(k3, (D_OUT, D_IN), dtype=jnp.float32) * (1.0 / np.sqrt(D_IN))
    b = jnp.zeros((D_OUT,), dtype=jnp.float32)
    return {"x": x, "edge_index": edge_index, "W": W, "b": b}


def reference(x, edge_index, W, b):
    # SGConv: K-hop symmetric-normalized propagation followed by a linear layer.
    N = x.shape[0]
    src = edge_index[0]
    dst = edge_index[1]
    # gcn_norm with add_self_loops=True, fill_value=1
    loop = jnp.arange(N, dtype=edge_index.dtype)
    src = jnp.concatenate([src, loop])
    dst = jnp.concatenate([dst, loop])
    ew = jnp.ones(src.shape[0], dtype=x.dtype)
    deg = jnp.zeros((N,), dtype=x.dtype).at[dst].add(ew)
    deg_inv_sqrt = jnp.where(deg > 0, jax.lax.rsqrt(jnp.maximum(deg, 1e-12)), 0.0)
    norm = deg_inv_sqrt[src] * ew * deg_inv_sqrt[dst]
    h = x
    for _ in range(K_HOPS):
        msg = h[src] * norm[:, None]
        h = jnp.zeros_like(h).at[dst].add(msg)
    return h @ W.T + b

if __name__ == "__main__":
    import jax
    _d = setup_inputs()
    print(jax.jit(kernel)(*tuple(_d.values())))

</pallas_src>

<mosaic_0001>
#map = affine_map<(d0, d1) -> (0)>
#map1 = affine_map<(d0, d1) -> (0, 0)>
module attributes {stable_mosaic.version = 14 : i64} {
  func.func @_deg_body(%arg0: i32, %arg1: i32, %arg2: memref<320000xi32, #tpu.memory_space<hbm>>, %arg3: memref<2x10240xf32, #tpu.memory_space<hbm>>, %arg4: memref<10000xi32, #tpu.memory_space<vmem>>, %arg5: memref<10240xf32, #tpu.memory_space<vmem>>, %arg6: memref<10240xf32, #tpu.memory_space<vmem>>, %arg7: memref<10240xf32, #tpu.memory_space<vmem_shared>>) attributes {dimension_semantics = [#tpu.dimension_semantics<core_parallel>, #tpu.dimension_semantics<subcore_parallel>], iteration_bounds = array<i64: 2, 16>, scalar_prefetch = 0 : i64, scratch_operands = 4 : i64, tpu.core_type = #tpu.core_type<sc_vector_subcore>, window_params = [{transform_indices = #map}, {transform_indices = #map1}]} {
    %mul3A = arith.constant 16 : i32
    %mul3A_0 = arith.muli %arg0, %mul3A : i32
    %add3A = arith.addi %mul3A_0, %arg1 : i32
    %scan3A = arith.constant 0 : i32
    %scan3A_1 = arith.constant 0 : i32
    %scan3A_2 = arith.constant 640 : i32
    %scan3A_3 = arith.addi %scan3A_1, %scan3A_2 : i32
    %scan3A_4 = arith.constant 1 : i32
    %scan3A_5 = scf.for %scan3A_17 = %scan3A_1 to %scan3A_3 step %scan3A_4 iter_args(%scan3A_18 = %scan3A) -> (i32)  : i32 {
      %broadcast_in_dim3A = arith.constant 1.000000e+00 : f32
      %broadcast_in_dim3A_19 = vector.broadcast %broadcast_in_dim3A : f32 to vector<16xf32>
      %mul3A_20 = arith.constant 16 : i32
      %mul3A_21 = arith.muli %scan3A_17, %mul3A_20 : i32
      %swap3A = arith.index_cast %mul3A_21 : i32 to index
      %swap3A_22 = tpu.vector_load %arg5[%swap3A] {strides = array<i32>} : memref<10240xf32, #tpu.memory_space<vmem>>, vector<16xf32>,
      %swap3A_23 = vector.shape_cast %swap3A_22 : vector<16xf32> to vector<16xf32>
      %swap3A_24 = vector.shape_cast %broadcast_in_dim3A_19 : vector<16xf32> to vector<16xf32>
      tpu.vector_store %arg5[%swap3A], %swap3A_24 {strides = array<i32>} : memref<10240xf32, #tpu.memory_space<vmem>>, vector<16xf32>,
      %broadcast_in_dim3A_25 = arith.constant 0.000000e+00 : f32
      %broadcast_in_dim3A_26 = vector.broadcast %broadcast_in_dim3A_25 : f32 to vector<16xf32>
      %mul3A_27 = arith.constant 16 : i32
      %mul3A_28 = arith.muli %scan3A_17, %mul3A_27 : i32
      %swap3A_29 = arith.index_cast %mul3A_28 : i32 to index
      %swap3A_30 = tpu.vector_load %arg6[%swap3A_29] {strides = array<i32>} : memref<10240xf32, #tpu.memory_space<vmem>>, vector<16xf32>,
      %swap3A_31 = vector.shape_cast %swap3A_30 : vector<16xf32> to vector<16xf32>
      %swap3A_32 = vector.shape_cast %broadcast_in_dim3A_26 : vector<16xf32> to vector<16xf32>
      tpu.vector_store %arg6[%swap3A_29], %swap3A_32 {strides = array<i32>} : memref<10240xf32, #tpu.memory_space<vmem>>, vector<16xf32>,
      %scan3A_33 = arith.constant 0 : i32
      scf.yield %scan3A_33 : i32
    }
    %scan3A_6 = arith.constant 640 : i32
    %eq3A = arith.constant 0 : i32
    %eq3A_7 = arith.cmpi eq, %arg1, %eq3A : i32
    %convert_element_type3A = arith.extui %eq3A_7 : i1 to i32
    %cond3A = arith.constant 0 : i32
    %cond3A_8 = arith.cmpi ne, %convert_element_type3A, %cond3A : i32
    scf.if %cond3A_8 {
      "tpu.region"() ({
        %run_scoped3A = tpu.sem_alloc : memref<!tpu.dma_semaphore, #tpu.memory_space<semaphore_mem>>
        tpu.enqueue_dma source(%arg6 : memref<10240xf32, #tpu.memory_space<vmem>>) target(%arg7 : memref<10240xf32, #tpu.memory_space<vmem_shared>>) target_semaphore(%run_scoped3A : memref<!tpu.dma_semaphore, #tpu.memory_space<semaphore_mem>>)
        tpu.wait_dma2 semaphore(%run_scoped3A : memref<!tpu.dma_semaphore, #tpu.memory_space<semaphore_mem>>) src(%arg6 : memref<10240xf32, #tpu.memory_space<vmem>>) dst(%arg7 : memref<10240xf32, #tpu.memory_space<vmem_shared>>)
        tpu.yield
      }) : () -> ()
    } else {
    }
    %barrier3A = arith.constant 0 : index
    tpu.barrier barrier_id(%barrier3A)
    %mul3A_9 = arith.constant 10000 : i32
    %mul3A_10 = arith.muli %add3A, %mul3A_9 : i32
    "tpu.region"() ({
      %run_scoped3A = tpu.sem_alloc : memref<!tpu.dma_semaphore, #tpu.memory_space<semaphore_mem>>
      %dma_start3A = tpu.memref_slice %arg2[%mul3A_10] : memref<320000xi32, #tpu.memory_space<hbm>> -> memref<10000xi32, #tpu.memory_space<hbm>>
      %dma_start3A_17 = tpu.memref_slice %arg2[%mul3A_10] : memref<320000xi32, #tpu.memory_space<hbm>> -> memref<10000xi32, #tpu.memory_space<hbm>>
      tpu.enqueue_dma source(%dma_start3A_17 : memref<10000xi32, #tpu.memory_space<hbm>>) target(%arg4 : memref<10000xi32, #tpu.memory_space<vmem>>) target_semaphore(%run_scoped3A : memref<!tpu.dma_semaphore, #tpu.memory_space<semaphore_mem>>)
      %dma_wait3A = tpu.memref_slice %arg2[%mul3A_10] : memref<320000xi32, #tpu.memory_space<hbm>> -> memref<10000xi32, #tpu.memory_space<hbm>>
      %dma_wait3A_18 = tpu.memref_slice %arg2[%mul3A_10] : memref<320000xi32, #tpu.memory_space<hbm>> -> memref<10000xi32, #tpu.memory_space<hbm>>
      tpu.wait_dma2 semaphore(%run_scoped3A : memref<!tpu.dma_semaphore, #tpu.memory_space<semaphore_mem>>) src(%dma_wait3A_18 : memref<10000xi32, #tpu.memory_space<hbm>>) dst(%arg4 : memref<10000xi32, #tpu.memory_space<vmem>>)
      tpu.yield
    }) : () -> ()
    "tpu.region"() ({
      %run_scoped3A = tpu.sem_alloc : memref<!tpu.dma_semaphore, #tpu.memory_space<semaphore_mem>>
      %dma_start3A = arith.constant 0 : i32
      %dma_start3A_17 = tpu.memref_slice %arg5[%dma_start3A] : memref<10240xf32, #tpu.memory_space<vmem>> -> memref<10000xf32, #tpu.memory_space<vmem>>
      %dma_start3A_18 = arith.constant 0 : i32
      %dma_start3A_19 = tpu.memref_slice %arg7[%dma_start3A_18] : memref<10240xf32, #tpu.memory_space<vmem_shared>> -> memref<10240xf32, #tpu.memory_space<vmem_shared>>
      tpu.enqueue_indirect_dma source(%dma_start3A_17 : memref<10000xf32, #tpu.memory_space<vmem>>) target(%dma_start3A_19 : memref<10240xf32, #tpu.memory_space<vmem_shared>>) offsets(%arg4 : memref<10000xi32, #tpu.memory_space<vmem>>) semaphore(%run_scoped3A : memref<!tpu.dma_semaphore, #tpu.memory_space<semaphore_mem>>) {add = true}
      %dma_wait3A = arith.constant 0 : i32
      %dma_wait3A_20 = tpu.memref_slice %arg5[%dma_wait3A] : memref<10240xf32, #tpu.memory_space<vmem>> -> memref<10000xf32, #tpu.memory_space<vmem>>
      %dma_wait3A_21 = arith.constant 0 : i32
      %dma_wait3A_22 = tpu.memref_slice %arg7[%dma_wait3A_21] : memref<10240xf32, #tpu.memory_space<vmem_shared>> -> memref<10240xf32, #tpu.memory_space<vmem_shared>>
      tpu.wait_indirect_dma semaphore(%run_scoped3A : memref<!tpu.dma_semaphore, #tpu.memory_space<semaphore_mem>>) src(%dma_wait3A_20 : memref<10000xf32, #tpu.memory_space<vmem>>) dst(%dma_wait3A_22 : memref<10240xf32, #tpu.memory_space<vmem_shared>>)
      tpu.yield
    }) : () -> ()
    %barrier3A_11 = arith.constant 0 : index
    tpu.barrier barrier_id(%barrier3A_11)
    %eq3A_12 = arith.constant 0 : i32
    %eq3A_13 = arith.cmpi eq, %arg1, %eq3A_12 : i32
    %convert_element_type3A_14 = arith.extui %eq3A_13 : i1 to i32
    %cond3A_15 = arith.constant 0 : i32
    %cond3A_16 = arith.cmpi ne, %convert_element_type3A_14, %cond3A_15 : i32
    scf.if %cond3A_16 {
      "tpu.region"() ({
        %run_scoped3A = tpu.sem_alloc : memref<!tpu.dma_semaphore, #tpu.memory_space<semaphore_mem>>
        %dma_start3A = arith.constant 0 : i32
        %dma_start3A_17 = tpu.memref_slice %arg3[%arg0, %dma_start3A] : memref<2x10240xf32, #tpu.memory_space<hbm>> -> memref<1x10240xf32, #tpu.memory_space<hbm>>
        %dma_start3A_18 = tpu.memref_squeeze %dma_start3A_17 : memref<1x10240xf32, #tpu.memory_space<hbm>> -> memref<10240xf32, #tpu.memory_space<hbm>>
        tpu.enqueue_dma source(%arg7 : memref<10240xf32, #tpu.memory_space<vmem_shared>>) target(%dma_start3A_18 : memref<10240xf32, #tpu.memory_space<hbm>>) target_semaphore(%run_scoped3A : memref<!tpu.dma_semaphore, #tpu.memory_space<semaphore_mem>>)
        %dma_wait3A = arith.constant 0 : i32
        %dma_wait3A_19 = tpu.memref_slice %arg3[%arg0, %dma_wait3A] : memref<2x10240xf32, #tpu.memory_space<hbm>> -> memref<1x10240xf32, #tpu.memory_space<hbm>>
        %dma_wait3A_20 = tpu.memref_squeeze %dma_wait3A_19 : memref<1x10240xf32, #tpu.memory_space<hbm>> -> memref<10240xf32, #tpu.memory_space<hbm>>
        tpu.wait_dma2 semaphore(%run_scoped3A : memref<!tpu.dma_semaphore, #tpu.memory_space<semaphore_mem>>) src(%arg7 : memref<10240xf32, #tpu.memory_space<vmem_shared>>) dst(%dma_wait3A_20 : memref<10240xf32, #tpu.memory_space<hbm>>)
        tpu.yield
      }) : () -> ()
    } else {
    }
    return
  }
}

#map = affine_map<(d0, d1) -> (0, 0)>
#map1 = affine_map<(d0, d1) -> (0)>
#map2 = affine_map<(d0, d1) -> (0, 0, 0)>
module attributes {stable_mosaic.version = 14 : i64} {
  func.func @_hop_body(%arg0: i32, %arg1: i32, %arg2: memref<10240x128xf32, #tpu.memory_space<hbm>>, %arg3: memref<327680xi32, #tpu.memory_space<hbm>>, %arg4: memref<327680xi32, #tpu.memory_space<hbm>>, %arg5: memref<2x10240x128xf32, #tpu.memory_space<hbm>>, %arg6: memref<128x128xf32, #tpu.memory_space<vmem>>, %arg7: memref<128x128xf32, #tpu.memory_space<vmem>>, %arg8: memref<128xi32, #tpu.memory_space<vmem>>, %arg9: memref<128xi32, #tpu.memory_space<vmem>>, %arg10: memref<128xi32, #tpu.memory_space<vmem>>, %arg11: memref<128xi32, #tpu.memory_space<vmem>>, %arg12: memref<10240x128xf32, #tpu.memory_space<vmem_shared>>, %arg13: memref<!tpu.dma_semaphore, #tpu.memory_space<semaphore_mem>>, %arg14: memref<!tpu.dma_semaphore, #tpu.memory_space<semaphore_mem>>, %arg15: memref<!tpu.dma_semaphore, #tpu.memory_space<semaphore_mem>>, %arg16: memref<!tpu.dma_semaphore, #tpu.memory_space<semaphore_mem>>, %arg17: memref<!tpu.dma_semaphore, #tpu.memory_space<semaphore_mem>>, %arg18: memref<!tpu.dma_semaphore, #tpu.memory_space<semaphore_mem>>) attributes {dimension_semantics = [#tpu.dimension_semantics<core_parallel>, #tpu.dimension_semantics<subcore_parallel>], iteration_bounds = array<i64: 2, 16>, scalar_prefetch = 0 : i64, scratch_operands = 13 : i64, tpu.core_type = #tpu.core_type<sc_vector_subcore>, window_params = [{transform_indices = #map}, {transform_indices = #map1}, {transform_indices = #map1}, {transform_indices = #map2}]} {
    %mul3A = arith.constant 16 : i32
    %mul3A_0 = arith.muli %arg0, %mul3A : i32
    %add3A = arith.addi %mul3A_0, %arg1 : i32
    %mul3A_1 = arith.constant 10240 : i32
    %mul3A_2 = arith.muli %add3A, %mul3A_1 : i32
    %broadcast_in_dim3A = arith.constant 0.000000e+00 : f32
    %broadcast_in_dim3A_3 = vector.broadcast %broadcast_in_dim3A : f32 to vector<16xf32>
    %scan3A = arith.constant 0 : i32
    %scan3A_4 = arith.constant 0 : i32
    %scan3A_5 = arith.constant 128 : i32
    %scan3A_6 = arith.addi %scan3A_4, %scan3A_5 : i32
    %scan3A_7 = arith.constant 1 : i32
    %scan3A_8 = scf.for %scan3A_65 = %scan3A_4 to %scan3A_6 step %scan3A_7 iter_args(%scan3A_66 = %scan3A) -> (i32)  : i32 {
      %swap3A = arith.index_cast %scan3A_65 : i32 to index
      %swap3A_67 = arith.constant 0 : index
      %swap3A_68 = tpu.vector_load %arg6[%swap3A, %swap3A_67] {strides = array<i32>} : memref<128x128xf32, #tpu.memory_space<vmem>>, vector<1x16xf32>,
      %swap3A_69 = vector.shape_cast %swap3A_68 : vector<1x16xf32> to vector<16xf32>
      %swap3A_70 = vector.shape_cast %broadcast_in_dim3A_3 : vector<16xf32> to vector<1x16xf32>
      tpu.vector_store %arg6[%swap3A, %swap3A_67], %swap3A_70 {strides = array<i32>} : memref<128x128xf32, #tpu.memory_space<vmem>>, vector<1x16xf32>,
      %swap3A_71 = arith.index_cast %scan3A_65 : i32 to index
      %swap3A_72 = arith.constant 16 : index
      %swap3A_73 = tpu.vector_load %arg6[%swap3A_71, %swap3A_72] {strides = array<i32>} : memref<128x128xf32, #tpu.memory_space<vmem>>, vector<1x16xf32>,
      %swap3A_74 = vector.shape_cast %swap3A_73 : vector<1x16xf32> to vector<16xf32>
      %swap3A_75 = vector.shape_cast %broadcast_in_dim3A_3 : vector<16xf32> to vector<1x16xf32>
      tpu.vector_store %arg6[%swap3A_71, %swap3A_72], %swap3A_75 {strides = array<i32>} : memref<128x128xf32, #tpu.memory_space<vmem>>, vector<1x16xf32>,
      %swap3A_76 = arith.index_cast %scan3A_65 : i32 to index
      %swap3A_77 = arith.constant 32 : index
      %swap3A_78 = tpu.vector_load %arg6[%swap3A_76, %swap3A_77] {strides = array<i32>} : memref<128x128xf32, #tpu.memory_space<vmem>>, vector<1x16xf32>,
      %swap3A_79 = vector.shape_cast %swap3A_78 : vector<1x16xf32> to vector<16xf32>
      %swap3A_80 = vector.shape_cast %broadcast_in_dim3A_3 : vector<16xf32> to vector<1x16xf32>
      tpu.vector_store %arg6[%swap3A_76, %swap3A_77], %swap3A_80 {strides = array<i32>} : memref<128x128xf32, #tpu.memory_space<vmem>>, vector<1x16xf32>,
      %swap3A_81 = arith.index_cast %scan3A_65 : i32 to index
      %swap3A_82 = arith.constant 48 : index
      %swap3A_83 = tpu.vector_load %arg6[%swap3A_81, %swap3A_82] {strides = array<i32>} : memref<128x128xf32, #tpu.memory_space<vmem>>, vector<1x16xf32>,
      %swap3A_84 = vector.shape_cast %swap3A_83 : vector<1x16xf32> to vector<16xf32>
      %swap3A_85 = vector.shape_cast %broadcast_in_dim3A_3 : vector<16xf32> to vector<1x16xf32>
      tpu.vector_store %arg6[%swap3A_81, %swap3A_82], %swap3A_85 {strides = array<i32>} : memref<128x128xf32, #tpu.memory_space<vmem>>, vector<1x16xf32>,
      %swap3A_86 = arith.index_cast %scan3A_65 : i32 to index
      %swap3A_87 = arith.constant 64 : index
      %swap3A_88 = tpu.vector_load %arg6[%swap3A_86, %swap3A_87] {strides = array<i32>} : memref<128x128xf32, #tpu.memory_space<vmem>>, vector<1x16xf32>,
      %swap3A_89 = vector.shape_cast %swap3A_88 : vector<1x16xf32> to vector<16xf32>
      %swap3A_90 = vector.shape_cast %broadcast_in_dim3A_3 : vector<16xf32> to vector<1x16xf32>
      tpu.vector_store %arg6[%swap3A_86, %swap3A_87], %swap3A_90 {strides = array<i32>} : memref<128x128xf32, #tpu.memory_space<vmem>>, vector<1x16xf32>,
      %swap3A_91 = arith.index_cast %scan3A_65 : i32 to index
      %swap3A_92 = arith.constant 80 : index
      %swap3A_93 = tpu.vector_load %arg6[%swap3A_91, %swap3A_92] {strides = array<i32>} : memref<128x128xf32, #tpu.memory_space<vmem>>, vector<1x16xf32>,
      %swap3A_94 = vector.shape_cast %swap3A_93 : vector<1x16xf32> to vector<16xf32>
      %swap3A_95 = vector.shape_cast %broadcast_in_dim3A_3 : vector<16xf32> to vector<1x16xf32>
      tpu.vector_store %arg6[%swap3A_91, %swap3A_92], %swap3A_95 {strides = array<i32>} : memref<128x128xf32, #tpu.memory_space<vmem>>, vector<1x16xf32>,
      %swap3A_96 = arith.index_cast %scan3A_65 : i32 to index
      %swap3A_97 = arith.constant 96 : index
      %swap3A_98 = tpu.vector_load %arg6[%swap3A_96, %swap3A_97] {strides = array<i32>} : memref<128x128xf32, #tpu.memory_space<vmem>>, vector<1x16xf32>,
      %swap3A_99 = vector.shape_cast %swap3A_98 : vector<1x16xf32> to vector<16xf32>
      %swap3A_100 = vector.shape_cast %broadcast_in_dim3A_3 : vector<16xf32> to vector<1x16xf32>
      tpu.vector_store %arg6[%swap3A_96, %swap3A_97], %swap3A_100 {strides = array<i32>} : memref<128x128xf32, #tpu.memory_space<vmem>>, vector<1x16xf32>,
      %swap3A_101 = arith.index_cast %scan3A_65 : i32 to index
      %swap3A_102 = arith.constant 112 : index
      %swap3A_103 = tpu.vector_load %arg6[%swap3A_101, %swap3A_102] {strides = array<i32>} : memref<128x128xf32, #tpu.memory_space<vmem>>, vector<1x16xf32>,
      %swap3A_104 = vector.shape_cast %swap3A_103 : vector<1x16xf32> to vector<16xf32>
      %swap3A_105 = vector.shape_cast %broadcast_in_dim3A_3 : vector<16xf32> to vector<1x16xf32>
      tpu.vector_store %arg6[%swap3A_101, %swap3A_102], %swap3A_105 {strides = array<i32>} : memref<128x128xf32, #tpu.memory_space<vmem>>, vector<1x16xf32>,
      %scan3A_106 = arith.constant 0 : i32
      scf.yield %scan3A_106 : i32
    }
    %scan3A_9 = arith.constant 128 : i32
    %scan3A_10 = arith.constant 0 : i32
    %scan3A_11 = arith.constant 0 : i32
    %scan3A_12 = arith.constant 5 : i32
    %scan3A_13 = arith.addi %scan3A_11, %scan3A_12 : i32
    %scan3A_14 = arith.constant 1 : i32
    %scan3A_15 = scf.for %scan3A_65 = %scan3A_11 to %scan3A_13 step %scan3A_14 iter_args(%scan3A_66 = %scan3A_10) -> (i32)  : i32 {
      %mul3A_67 = arith.constant 640 : i32
      %mul3A_68 = arith.muli %arg1, %mul3A_67 : i32
      %mul3A_69 = arith.constant 128 : i32
      %mul3A_70 = arith.muli %scan3A_65, %mul3A_69 : i32
      %add3A_71 = arith.addi %mul3A_68, %mul3A_70 : i32
      "tpu.region"() ({
        %run_scoped3A = tpu.sem_alloc : memref<!tpu.dma_semaphore, #tpu.memory_space<semaphore_mem>>
        %dma_start3A_73 = arith.constant 0 : i32
        %dma_start3A_74 = tpu.memref_slice %arg12[%add3A_71, %dma_start3A_73] : memref<10240x128xf32, #tpu.memory_space<vmem_shared>> -> memref<128x128xf32, #tpu.memory_space<vmem_shared>>
        %dma_start3A_75 = arith.constant 0 : i32
        %dma_start3A_76 = tpu.memref_slice %arg12[%add3A_71, %dma_start3A_75] : memref<10240x128xf32, #tpu.memory_space<vmem_shared>> -> memref<128x128xf32, #tpu.memory_space<vmem_shared>>
        tpu.enqueue_dma source(%arg6 : memref<128x128xf32, #tpu.memory_space<vmem>>) target(%dma_start3A_76 : memref<128x128xf32, #tpu.memory_space<vmem_shared>>) target_semaphore(%run_scoped3A : memref<!tpu.dma_semaphore, #tpu.memory_space<semaphore_mem>>)
        %dma_wait3A_77 = arith.constant 0 : i32
        %dma_wait3A_78 = tpu.memref_slice %arg12[%add3A_71, %dma_wait3A_77] : memref<10240x128xf32, #tpu.memory_space<vmem_shared>> -> memref<128x128xf32, #tpu.memory_space<vmem_shared>>
        %dma_wait3A_79 = arith.constant 0 : i32
        %dma_wait3A_80 = tpu.memref_slice %arg12[%add3A_71, %dma_wait3A_79] : memref<10240x128xf32, #tpu.memory_space<vmem_shared>> -> memref<128x128xf32, #tpu.memory_space<vmem_shared>>
        tpu.wait_dma2 semaphore(%run_scoped3A : memref<!tpu.dma_semaphore, #tpu.memory_space<semaphore_mem>>) src(%arg6 : memref<128x128xf32, #tpu.memory_space<vmem>>) dst(%dma_wait3A_80 : memref<128x128xf32, #tpu.memory_space<vmem_shared>>)
        tpu.yield
      }) : () -> ()
      %scan3A_72 = arith.constant 0 : i32
      scf.yield %scan3A_72 : i32
    }
    %scan3A_16 = arith.constant 5 : i32
    %barrier3A = arith.constant 0 : index
    tpu.barrier barrier_id(%barrier3A)
    %add3A_17 = arith.constant 0 : i32
    %add3A_18 = arith.addi %mul3A_2, %add3A_17 : i32
    %dma_start3A = tpu.memref_slice %arg3[%add3A_18] : memref<327680xi32, #tpu.memory_space<hbm>> -> memref<128xi32, #tpu.memory_space<hbm>>
    %dma_start3A_19 = tpu.memref_slice %arg3[%add3A_18] : memref<327680xi32, #tpu.memory_space<hbm>> -> memref<128xi32, #tpu.memory_space<hbm>>
    tpu.enqueue_dma source(%dma_start3A_19 : memref<128xi32, #tpu.memory_space<hbm>>) target(%arg8 : memref<128xi32, #tpu.memory_space<vmem>>) target_semaphore(%arg17 : memref<!tpu.dma_semaphore, #tpu.memory_space<semaphore_mem>>)
    %add3A_20 = arith.constant 0 : i32
    %add3A_21 = arith.addi %mul3A_2, %add3A_20 : i32
    %dma_start3A_22 = tpu.memref_slice %arg4[%add3A_21] : memref<327680xi32, #tpu.memory_space<hbm>> -> memref<128xi32, #tpu.memory_space<hbm>>
    %dma_start3A_23 = tpu.memref_slice %arg4[%add3A_21] : memref<327680xi32, #tpu.memory_space<hbm>> -> memref<128xi32, #tpu.memory_space<hbm>>
    tpu.enqueue_dma source(%dma_start3A_23 : memref<128xi32, #tpu.memory_space<hbm>>) target(%arg10 : memref<128xi32, #tpu.memory_space<vmem>>) target_semaphore(%arg17 : memref<!tpu.dma_semaphore, #tpu.memory_space<semaphore_mem>>)
    %dma_wait3A = arith.constant 0 : i32
    %dma_wait3A_24 = tpu.memref_slice %arg3[%dma_wait3A] : memref<327680xi32, #tpu.memory_space<hbm>> -> memref<128xi32, #tpu.memory_space<hbm>>
    %dma_wait3A_25 = arith.constant 0 : i32
    %dma_wait3A_26 = tpu.memref_slice %arg3[%dma_wait3A_25] : memref<327680xi32, #tpu.memory_space<hbm>> -> memref<128xi32, #tpu.memory_space<hbm>>
    tpu.wait_dma2 semaphore(%arg17 : memref<!tpu.dma_semaphore, #tpu.memory_space<semaphore_mem>>) src(%dma_wait3A_26 : memref<128xi32, #tpu.memory_space<hbm>>) dst(%arg8 : memref<128xi32, #tpu.memory_space<vmem>>)
    %dma_wait3A_27 = arith.constant 0 : i32
    %dma_wait3A_28 = tpu.memref_slice %arg4[%dma_wait3A_27] : memref<327680xi32, #tpu.memory_space<hbm>> -> memref<128xi32, #tpu.memory_space<hbm>>
    %dma_wait3A_29 = arith.constant 0 : i32
    %dma_wait3A_30 = tpu.memref_slice %arg4[%dma_wait3A_29] : memref<327680xi32, #tpu.memory_space<hbm>> -> memref<128xi32, #tpu.memory_space<hbm>>
    tpu.wait_dma2 semaphore(%arg17 : memref<!tpu.dma_semaphore, #tpu.memory_space<semaphore_mem>>) src(%dma_wait3A_30 : memref<128xi32, #tpu.memory_space<hbm>>) dst(%arg10 : memref<128xi32, #tpu.memory_space<vmem>>)
    %dma_start3A_31 = arith.constant 0 : i32
    %dma_start3A_32 = arith.constant 0 : i32
    %dma_start3A_33 = tpu.memref_slice %arg2[%dma_start3A_31, %dma_start3A_32] : memref<10240x128xf32, #tpu.memory_space<hbm>> -> memref<10240x128xf32, #tpu.memory_space<hbm>>
    tpu.enqueue_indirect_dma source(%dma_start3A_33 : memref<10240x128xf32, #tpu.memory_space<hbm>>) target(%arg6 : memref<128x128xf32, #tpu.memory_space<vmem>>) offsets(%arg8 : memref<128xi32, #tpu.memory_space<vmem>>) semaphore(%arg13 : memref<!tpu.dma_semaphore, #tpu.memory_space<semaphore_mem>>)
    %add3A_34 = arith.constant 128 : i32
    %add3A_35 = arith.addi %mul3A_2, %add3A_34 : i32
    %dma_start3A_36 = tpu.memref_slice %arg3[%add3A_35] : memref<327680xi32, #tpu.memory_space<hbm>> -> memref<128xi32, #tpu.memory_space<hbm>>
    %dma_start3A_37 = tpu.memref_slice %arg3[%add3A_35] : memref<327680xi32, #tpu.memory_space<hbm>> -> memref<128xi32, #tpu.memory_space<hbm>>
    tpu.enqueue_dma source(%dma_start3A_37 : memref<128xi32, #tpu.memory_space<hbm>>) target(%arg9 : memref<128xi32, #tpu.memory_space<vmem>>) target_semaphore(%arg18 : memref<!tpu.dma_semaphore, #tpu.memory_space<semaphore_mem>>)
    %add3A_38 = arith.constant 128 : i32
    %add3A_39 = arith.addi %mul3A_2, %add3A_38 : i32
    %dma_start3A_40 = tpu.memref_slice %arg4[%add3A_39] : memref<327680xi32, #tpu.memory_space<hbm>> -> memref<128xi32, #tpu.memory_space<hbm>>
    %dma_start3A_41 = tpu.memref_slice %arg4[%add3A_39] : memref<327680xi32, #tpu.memory_space<hbm>> -> memref<128xi32, #tpu.memory_space<hbm>>
    tpu.enqueue_dma source(%dma_start3A_41 : memref<128xi32, #tpu.memory_space<hbm>>) target(%arg11 : memref<128xi32, #tpu.memory_space<vmem>>) target_semaphore(%arg18 : memref<!tpu.dma_semaphore, #tpu.memory_space<semaphore_mem>>)
    %dma_wait3A_42 = arith.constant 0 : i32
    %dma_wait3A_43 = tpu.memref_slice %arg3[%dma_wait3A_42] : memref<327680xi32, #tpu.memory_space<hbm>> -> memref<128xi32, #tpu.memory_space<hbm>>
    %dma_wait3A_44 = arith.constant 0 : i32
    %dma_wait3A_45 = tpu.memref_slice %arg3[%dma_wait3A_44] : memref<327680xi32, #tpu.memory_space<hbm>> -> memref<128xi32, #tpu.memory_space<hbm>>
    tpu.wait_dma2 semaphore(%arg18 : memref<!tpu.dma_semaphore, #tpu.memory_space<semaphore_mem>>) src(%dma_wait3A_45 : memref<128xi32, #tpu.memory_space<hbm>>) dst(%arg9 : memref<128xi32, #tpu.memory_space<vmem>>)
    %dma_wait3A_46 = arith.constant 0 : i32
    %dma_wait3A_47 = tpu.memref_slice %arg4[%dma_wait3A_46] : memref<327680xi32, #tpu.memory_space<hbm>> -> memref<128xi32, #tpu.memory_space<hbm>>
    %dma_wait3A_48 = arith.constant 0 : i32
    %dma_wait3A_49 = tpu.memref_slice %arg4[%dma_wait3A_48] : memref<327680xi32, #tpu.memory_space<hbm>> -> memref<128xi32, #tpu.memory_space<hbm>>
    tpu.wait_dma2 semaphore(%arg18 : memref<!tpu.dma_semaphore, #tpu.memory_space<semaphore_mem>>) src(%dma_wait3A_49 : memref<128xi32, #tpu.memory_space<hbm>>) dst(%arg11 : memref<128xi32, #tpu.memory_space<vmem>>)
    %dma_start3A_50 = arith.constant 0 : i32
    %dma_start3A_51 = arith.constant 0 : i32
    %dma_start3A_52 = tpu.memref_slice %arg2[%dma_start3A_50, %dma_start3A_51] : memref<10240x128xf32, #tpu.memory_space<hbm>> -> memref<10240x128xf32, #tpu.memory_space<hbm>>
    tpu.enqueue_indirect_dma source(%dma_start3A_52 : memref<10240x128xf32, #tpu.memory_space<hbm>>) target(%arg7 : memref<128x128xf32, #tpu.memory_space<vmem>>) offsets(%arg9 : memref<128xi32, #tpu.memory_space<vmem>>) semaphore(%arg14 : memref<!tpu.dma_semaphore, #tpu.memory_space<semaphore_mem>>)
    %scan3A_53 = arith.constant 0 : i32
    %scan3A_54 = arith.constant 0 : i32
    %scan3A_55 = arith.constant 40 : i32
    %scan3A_56 = arith.addi %scan3A_54, %scan3A_55 : i32
    %scan3A_57 = arith.constant 1 : i32
    %scan3A_58 = scf.for %scan3A_65 = %scan3A_54 to %scan3A_56 step %scan3A_57 iter_args(%scan3A_66 = %scan3A_53) -> (i32)  : i32 {
      %dma_wait3A_67 = arith.constant 0 : i32
      %dma_wait3A_68 = arith.constant 0 : i32
      %dma_wait3A_69 = tpu.memref_slice %arg2[%dma_wait3A_67, %dma_wait3A_68] : memref<10240x128xf32, #tpu.memory_space<hbm>> -> memref<10240x128xf32, #tpu.memory_space<hbm>>
      tpu.wait_indirect_dma semaphore(%arg13 : memref<!tpu.dma_semaphore, #tpu.memory_space<semaphore_mem>>) src(%dma_wait3A_69 : memref<10240x128xf32, #tpu.memory_space<hbm>>) dst(%arg6 : memref<128x128xf32, #tpu.memory_space<vmem>>)
      %dma_start3A_70 = arith.constant 0 : i32
      %dma_start3A_71 = arith.constant 0 : i32
      %dma_start3A_72 = tpu.memref_slice %arg12[%dma_start3A_70, %dma_start3A_71] : memref<10240x128xf32, #tpu.memory_space<vmem_shared>> -> memref<10240x128xf32, #tpu.memory_space<vmem_shared>>
      tpu.enqueue_indirect_dma source(%arg6 : memref<128x128xf32, #tpu.memory_space<vmem>>) target(%dma_start3A_72 : memref<10240x128xf32, #tpu.memory_space<vmem_shared>>) offsets(%arg10 : memref<128xi32, #tpu.memory_space<vmem>>) semaphore(%arg15 : memref<!tpu.dma_semaphore, #tpu.memory_space<semaphore_mem>>) {add = true}
      %dma_wait3A_73 = arith.constant 0 : i32
      %dma_wait3A_74 = arith.constant 0 : i32
      %dma_wait3A_75 = tpu.memref_slice %arg2[%dma_wait3A_73, %dma_wait3A_74] : memref<10240x128xf32, #tpu.memory_space<hbm>> -> memref<10240x128xf32, #tpu.memory_space<hbm>>
      tpu.wait_indirect_dma semaphore(%arg14 : memref<!tpu.dma_semaphore, #tpu.memory_space<semaphore_mem>>) src(%dma_wait3A_75 : memref<10240x128xf32, #tpu.memory_space<hbm>>) dst(%arg7 : memref<128x128xf32, #tpu.memory_space<vmem>>)
      %dma_start3A_76 = arith.constant 0 : i32
      %dma_start3A_77 = arith.constant 0 : i32
      %dma_start3A_78 = tpu.memref_slice %arg12[%dma_start3A_76, %dma_start3A_77] : memref<10240x128xf32, #tpu.memory_space<vmem_shared>> -> memref<10240x128xf32, #tpu.memory_space<vmem_shared>>
      tpu.enqueue_indirect_dma source(%arg7 : memref<128x128xf32, #tpu.memory_space<vmem>>) target(%dma_start3A_78 : memref<10240x128xf32, #tpu.memory_space<vmem_shared>>) offsets(%arg11 : memref<128xi32, #tpu.memory_space<vmem>>) semaphore(%arg16 : memref<!tpu.dma_semaphore, #tpu.memory_space<semaphore_mem>>) {add = true}
      %lt3A = arith.constant 39 : i32
      %lt3A_79 = arith.cmpi slt, %scan3A_65, %lt3A : i32
      %convert_element_type3A = arith.extui %lt3A_79 : i1 to i32
      %cond3A = arith.constant 0 : i32
      %cond3A_80 = arith.cmpi ne, %convert_element_type3A, %cond3A : i32
      scf.if %cond3A_80 {
        %dma_wait3A_86 = arith.constant 0 : i32
        %dma_wait3A_87 = arith.constant 0 : i32
        %dma_wait3A_88 = tpu.memref_slice %arg12[%dma_wait3A_86, %dma_wait3A_87] : memref<10240x128xf32, #tpu.memory_space<vmem_shared>> -> memref<10240x128xf32, #tpu.memory_space<vmem_shared>>
        tpu.wait_indirect_dma semaphore(%arg15 : memref<!tpu.dma_semaphore, #tpu.memory_space<semaphore_mem>>) src(%arg6 : memref<128x128xf32, #tpu.memory_space<vmem>>) dst(%dma_wait3A_88 : memref<10240x128xf32, #tpu.memory_space<vmem_shared>>)
        %mul3A_89 = arith.constant 2 : i32
        %mul3A_90 = arith.muli %mul3A_89, %scan3A_65 : i32
        %add3A_91 = arith.constant 2 : i32
        %add3A_92 = arith.addi %mul3A_90, %add3A_91 : i32
        %mul3A_93 = arith.constant 128 : i32
        %mul3A_94 = arith.muli %add3A_92, %mul3A_93 : i32
        %add3A_95 = arith.addi %mul3A_2, %mul3A_94 : i32
        %dma_start3A_96 = tpu.memref_slice %arg3[%add3A_95] : memref<327680xi32, #tpu.memory_space<hbm>> -> memref<128xi32, #tpu.memory_space<hbm>>
        %dma_start3A_97 = tpu.memref_slice %arg3[%add3A_95] : memref<327680xi32, #tpu.memory_space<hbm>> -> memref<128xi32, #tpu.memory_space<hbm>>
        tpu.enqueue_dma source(%dma_start3A_97 : memref<128xi32, #tpu.memory_space<hbm>>) target(%arg8 : memref<128xi32, #tpu.memory_space<vmem>>) target_semaphore(%arg17 : memref<!tpu.dma_semaphore, #tpu.memory_space<semaphore_mem>>)
        %mul3A_98 = arith.constant 128 : i32
        %mul3A_99 = arith.muli %add3A_92, %mul3A_98 : i32
        %add3A_100 = arith.addi %mul3A_2, %mul3A_99 : i32
        %dma_start3A_101 = tpu.memref_slice %arg4[%add3A_100] : memref<327680xi32, #tpu.memory_space<hbm>> -> memref<128xi32, #tpu.memory_space<hbm>>
        %dma_start3A_102 = tpu.memref_slice %arg4[%add3A_100] : memref<327680xi32, #tpu.memory_space<hbm>> -> memref<128xi32, #tpu.memory_space<hbm>>
        tpu.enqueue_dma source(%dma_start3A_102 : memref<128xi32, #tpu.memory_space<hbm>>) target(%arg10 : memref<128xi32, #tpu.memory_space<vmem>>) target_semaphore(%arg17 : memref<!tpu.dma_semaphore, #tpu.memory_space<semaphore_mem>>)
        %dma_wait3A_103 = arith.constant 0 : i32
        %dma_wait3A_104 = tpu.memref_slice %arg3[%dma_wait3A_103] : memref<327680xi32, #tpu.memory_space<hbm>> -> memref<128xi32, #tpu.memory_space<hbm>>
        %dma_wait3A_105 = arith.constant 0 : i32
        %dma_wait3A_106 = tpu.memref_slice %arg3[%dma_wait3A_105] : memref<327680xi32, #tpu.memory_space<hbm>> -> memref<128xi32, #tpu.memory_space<hbm>>
        tpu.wait_dma2 semaphore(%arg17 : memref<!tpu.dma_semaphore, #tpu.memory_space<semaphore_mem>>) src(%dma_wait3A_106 : memref<128xi32, #tpu.memory_space<hbm>>) dst(%arg8 : memref<128xi32, #tpu.memory_space<vmem>>)
        %dma_wait3A_107 = arith.constant 0 : i32
        %dma_wait3A_108 = tpu.memref_slice %arg4[%dma_wait3A_107] : memref<327680xi32, #tpu.memory_space<hbm>> -> memref<128xi32, #tpu.memory_space<hbm>>
        %dma_wait3A_109 = arith.constant 0 : i32
        %dma_wait3A_110 = tpu.memref_slice %arg4[%dma_wait3A_109] : memref<327680xi32, #tpu.memory_space<hbm>> -> memref<128xi32, #tpu.memory_space<hbm>>
        tpu.wait_dma2 semaphore(%arg17 : memref<!tpu.dma_semaphore, #tpu.memory_space<semaphore_mem>>) src(%dma_wait3A_110 : memref<128xi32, #tpu.memory_space<hbm>>) dst(%arg10 : memref<128xi32, #tpu.memory_space<vmem>>)
        %dma_start3A_111 = arith.constant 0 : i32
        %dma_start3A_112 = arith.constant 0 : i32
        %dma_start3A_113 = tpu.memref_slice %arg2[%dma_start3A_111, %dma_start3A_112] : memref<10240x128xf32, #tpu.memory_space<hbm>> -> memref<10240x128xf32, #tpu.memory_space<hbm>>
        tpu.enqueue_indirect_dma source(%dma_start3A_113 : memref<10240x128xf32, #tpu.memory_space<hbm>>) target(%arg6 : memref<128x128xf32, #tpu.memory_space<vmem>>) offsets(%arg8 : memref<128xi32, #tpu.memory_space<vmem>>) semaphore(%arg13 : memref<!tpu.dma_semaphore, #tpu.memory_space<semaphore_mem>>)
        %dma_wait3A_114 = arith.constant 0 : i32
        %dma_wait3A_115 = arith.constant 0 : i32
        %dma_wait3A_116 = tpu.memref_slice %arg12[%dma_wait3A_114, %dma_wait3A_115] : memref<10240x128xf32, #tpu.memory_space<vmem_shared>> -> memref<10240x128xf32, #tpu.memory_space<vmem_shared>>
        tpu.wait_indirect_dma semaphore(%arg16 : memref<!tpu.dma_semaphore, #tpu.memory_space<semaphore_mem>>) src(%arg7 : memref<128x128xf32, #tpu.memory_space<vmem>>) dst(%dma_wait3A_116 : memref<10240x128xf32, #tpu.memory_space<vmem_shared>>)
        %mul3A_117 = arith.constant 2 : i32
        %mul3A_118 = arith.muli %mul3A_117, %scan3A_65 : i32
        %add3A_119 = arith.constant 3 : i32
        %add3A_120 = arith.addi %mul3A_118, %add3A_119 : i32
        %mul3A_121 = arith.constant 128 : i32
        %mul3A_122 = arith.muli %add3A_120, %mul3A_121 : i32
        %add3A_123 = arith.addi %mul3A_2, %mul3A_122 : i32
        %dma_start3A_124 = tpu.memref_slice %arg3[%add3A_123] : memref<327680xi32, #tpu.memory_space<hbm>> -> memref<128xi32, #tpu.memory_space<hbm>>
        %dma_start3A_125 = tpu.memref_slice %arg3[%add3A_123] : memref<327680xi32, #tpu.memory_space<hbm>> -> memref<128xi32, #tpu.memory_space<hbm>>
        tpu.enqueue_dma source(%dma_start3A_125 : memref<128xi32, #tpu.memory_space<hbm>>) target(%arg9 : memref<128xi32, #tpu.memory_space<vmem>>) target_semaphore(%arg18 : memref<!tpu.dma_semaphore, #tpu.memory_space<semaphore_mem>>)
        %mul3A_126 = arith.constant 128 : i32
        %mul3A_127 = arith.muli %add3A_120, %mul3A_126 : i32
        %add3A_128 = arith.addi %mul3A_2, %mul3A_127 : i32
        %dma_start3A_129 = tpu.memref_slice %arg4[%add3A_128] : memref<327680xi32, #tpu.memory_space<hbm>> -> memref<128xi32, #tpu.memory_space<hbm>>
        %dma_start3A_130 = tpu.memref_slice %arg4[%add3A_128] : memref<327680xi32, #tpu.memory_space<hbm>> -> memref<128xi32, #tpu.memory_space<hbm>>
        tpu.enqueue_dma source(%dma_start3A_130 : memref<128xi32, #tpu.memory_space<hbm>>) target(%arg11 : memref<128xi32, #tpu.memory_space<vmem>>) target_semaphore(%arg18 : memref<!tpu.dma_semaphore, #tpu.memory_space<semaphore_mem>>)
        %dma_wait3A_131 = arith.constant 0 : i32
        %dma_wait3A_132 = tpu.memref_slice %arg3[%dma_wait3A_131] : memref<327680xi32, #tpu.memory_space<hbm>> -> memref<128xi32, #tpu.memory_space<hbm>>
        %dma_wait3A_133 = arith.constant 0 : i32
        %dma_wait3A_134 = tpu.memref_slice %arg3[%dma_wait3A_133] : memref<327680xi32, #tpu.memory_space<hbm>> -> memref<128xi32, #tpu.memory_space<hbm>>
        tpu.wait_dma2 semaphore(%arg18 : memref<!tpu.dma_semaphore, #tpu.memory_space<semaphore_mem>>) src(%dma_wait3A_134 : memref<128xi32, #tpu.memory_space<hbm>>) dst(%arg9 : memref<128xi32, #tpu.memory_space<vmem>>)
        %dma_wait3A_135 = arith.constant 0 : i32
        %dma_wait3A_136 = tpu.memref_slice %arg4[%dma_wait3A_135] : memref<327680xi32, #tpu.memory_space<hbm>> -> memref<128xi32, #tpu.memory_space<hbm>>
        %dma_wait3A_137 = arith.constant 0 : i32
        %dma_wait3A_138 = tpu.memref_slice %arg4[%dma_wait3A_137] : memref<327680xi32, #tpu.memory_space<hbm>> -> memref<128xi32, #tpu.memory_space<hbm>>
        tpu.wait_dma2 semaphore(%arg18 : memref<!tpu.dma_semaphore, #tpu.memory_space<semaphore_mem>>) src(%dma_wait3A_138 : memref<128xi32, #tpu.memory_space<hbm>>) dst(%arg11 : memref<128xi32, #tpu.memory_space<vmem>>)
        %dma_start3A_139 = arith.constant 0 : i32
        %dma_start3A_140 = arith.constant 0 : i32
        %dma_start3A_141 = tpu.memref_slice %arg2[%dma_start3A_139, %dma_start3A_140] : memref<10240x128xf32, #tpu.memory_space<hbm>> -> memref<10240x128xf32, #tpu.memory_space<hbm>>
        tpu.enqueue_indirect_dma source(%dma_start3A_141 : memref<10240x128xf32, #tpu.memory_space<hbm>>) target(%arg7 : memref<128x128xf32, #tpu.memory_space<vmem>>) offsets(%arg9 : memref<128xi32, #tpu.memory_space<vmem>>) semaphore(%arg14 : memref<!tpu.dma_semaphore, #tpu.memory_space<semaphore_mem>>)
      } else {
      }
      %ge3A = arith.constant 39 : i32
      %ge3A_81 = arith.cmpi sge, %scan3A_65, %ge3A : i32
      %convert_element_type3A_82 = arith.extui %ge3A_81 : i1 to i32
      %cond3A_83 = arith.constant 0 : i32
      %cond3A_84 = arith.cmpi ne, %convert_element_type3A_82, %cond3A_83 : i32
      scf.if %cond3A_84 {
        %dma_wait3A_86 = arith.constant 0 : i32
        %dma_wait3A_87 = arith.constant 0 : i32
        %dma_wait3A_88 = tpu.memref_slice %arg12[%dma_wait3A_86, %dma_wait3A_87] : memref<10240x128xf32, #tpu.memory_space<vmem_shared>> -> memref<10240x128xf32, #tpu.memory_space<vmem_shared>>
        tpu.wait_indirect_dma semaphore(%arg15 : memref<!tpu.dma_semaphore, #tpu.memory_space<semaphore_mem>>) src(%arg6 : memref<128x128xf32, #tpu.memory_space<vmem>>) dst(%dma_wait3A_88 : memref<10240x128xf32, #tpu.memory_space<vmem_shared>>)
        %dma_wait3A_89 = arith.constant 0 : i32
        %dma_wait3A_90 = arith.constant 0 : i32
        %dma_wait3A_91 = tpu.memref_slice %arg12[%dma_wait3A_89, %dma_wait3A_90] : memref<10240x128xf32, #tpu.memory_space<vmem_shared>> -> memref<10240x128xf32, #tpu.memory_space<vmem_shared>>
        tpu.wait_indirect_dma semaphore(%arg16 : memref<!tpu.dma_semaphore, #tpu.memory_space<semaphore_mem>>) src(%arg7 : memref<128x128xf32, #tpu.memory_space<vmem>>) dst(%dma_wait3A_91 : memref<10240x128xf32, #tpu.memory_space<vmem_shared>>)
      } else {
      }
      %scan3A_85 = arith.constant 0 : i32
      scf.yield %scan3A_85 : i32
    }
    %scan3A_59 = arith.constant 40 : i32
    %barrier3A_60 = arith.constant 0 : index
    tpu.barrier barrier_id(%barrier3A_60)
    %mul3A_61 = arith.constant 640 : i32
    %mul3A_62 = arith.muli %arg1, %mul3A_61 : i32
    %mul3A_63 = arith.constant 640 : i32
    %mul3A_64 = arith.muli %arg1, %mul3A_63 : i32
    "tpu.region"() ({
      %run_scoped3A = tpu.sem_alloc : memref<!tpu.dma_semaphore, #tpu.memory_space<semaphore_mem>>
      %dma_start3A_65 = arith.constant 0 : i32
      %dma_start3A_66 = tpu.memref_slice %arg5[%arg0, %mul3A_64, %dma_start3A_65] : memref<2x10240x128xf32, #tpu.memory_space<hbm>> -> memref<1x640x128xf32, #tpu.memory_space<hbm>>
      %dma_start3A_67 = tpu.memref_squeeze %dma_start3A_66 : memref<1x640x128xf32, #tpu.memory_space<hbm>> -> memref<640x128xf32, #tpu.memory_space<hbm>>
      %dma_start3A_68 = arith.constant 0 : i32
      %dma_start3A_69 = tpu.memref_slice %arg12[%mul3A_62, %dma_start3A_68] : memref<10240x128xf32, #tpu.memory_space<vmem_shared>> -> memref<640x128xf32, #tpu.memory_space<vmem_shared>>
      tpu.enqueue_dma source(%dma_start3A_69 : memref<640x128xf32, #tpu.memory_space<vmem_shared>>) target(%dma_start3A_67 : memref<640x128xf32, #tpu.memory_space<hbm>>) target_semaphore(%run_scoped3A : memref<!tpu.dma_semaphore, #tpu.memory_space<semaphore_mem>>)
      %dma_wait3A_70 = arith.constant 0 : i32
      %dma_wait3A_71 = tpu.memref_slice %arg5[%arg0, %mul3A_64, %dma_wait3A_70] : memref<2x10240x128xf32, #tpu.memory_space<hbm>> -> memref<1x640x128xf32, #tpu.memory_space<hbm>>
      %dma_wait3A_72 = tpu.memref_squeeze %dma_wait3A_71 : memref<1x640x128xf32, #tpu.memory_space<hbm>> -> memref<640x128xf32, #tpu.memory_space<hbm>>
      %dma_wait3A_73 = arith.constant 0 : i32
      %dma_wait3A_74 = tpu.memref_slice %arg12[%mul3A_62, %dma_wait3A_73] : memref<10240x128xf32, #tpu.memory_space<vmem_shared>> -> memref<640x128xf32, #tpu.memory_space<vmem_shared>>
      tpu.wait_dma2 semaphore(%run_scoped3A : memref<!tpu.dma_semaphore, #tpu.memory_space<semaphore_mem>>) src(%dma_wait3A_74 : memref<640x128xf32, #tpu.memory_space<vmem_shared>>) dst(%dma_wait3A_72 : memref<640x128xf32, #tpu.memory_space<hbm>>)
      tpu.yield
    }) : () -> ()
    return
  }
}

#map = affine_map<(d0, d1) -> (0, 0)>
#map1 = affine_map<(d0, d1) -> (0)>
#map2 = affine_map<(d0, d1) -> (0, 0, 0)>
module attributes {stable_mosaic.version = 14 : i64} {
  func.func @_hop_body(%arg0: i32, %arg1: i32, %arg2: memref<10240x128xf32, #tpu.memory_space<hbm>>, %arg3: memref<327680xi32, #tpu.memory_space<hbm>>, %arg4: memref<327680xi32, #tpu.memory_space<hbm>>, %arg5: memref<2x10240x128xf32, #tpu.memory_space<hbm>>, %arg6: memref<128x128xf32, #tpu.memory_space<vmem>>, %arg7: memref<128x128xf32, #tpu.memory_space<vmem>>, %arg8: memref<128xi32, #tpu.memory_space<vmem>>, %arg9: memref<128xi32, #tpu.memory_space<vmem>>, %arg10: memref<128xi32, #tpu.memory_space<vmem>>, %arg11: memref<128xi32, #tpu.memory_space<vmem>>, %arg12: memref<10240x128xf32, #tpu.memory_space<vmem_shared>>, %arg13: memref<!tpu.dma_semaphore, #tpu.memory_space<semaphore_mem>>, %arg14: memref<!tpu.dma_semaphore, #tpu.memory_space<semaphore_mem>>, %arg15: memref<!tpu.dma_semaphore, #tpu.memory_space<semaphore_mem>>, %arg16: memref<!tpu.dma_semaphore, #tpu.memory_space<semaphore_mem>>, %arg17: memref<!tpu.dma_semaphore, #tpu.memory_space<semaphore_mem>>, %arg18: memref<!tpu.dma_semaphore, #tpu.memory_space<semaphore_mem>>) attributes {dimension_semantics = [#tpu.dimension_semantics<core_parallel>, #tpu.dimension_semantics<subcore_parallel>], iteration_bounds = array<i64: 2, 16>, scalar_prefetch = 0 : i64, scratch_operands = 13 : i64, tpu.core_type = #tpu.core_type<sc_vector_subcore>, window_params = [{transform_indices = #map}, {transform_indices = #map1}, {transform_indices = #map1}, {transform_indices = #map2}]} {
    %mul3A = arith.constant 16 : i32
    %mul3A_0 = arith.muli %arg0, %mul3A : i32
    %add3A = arith.addi %mul3A_0, %arg1 : i32
    %mul3A_1 = arith.constant 10240 : i32
    %mul3A_2 = arith.muli %add3A, %mul3A_1 : i32
    %broadcast_in_dim3A = arith.constant 0.000000e+00 : f32
    %broadcast_in_dim3A_3 = vector.broadcast %broadcast_in_dim3A : f32 to vector<16xf32>
    %scan3A = arith.constant 0 : i32
    %scan3A_4 = arith.constant 0 : i32
    %scan3A_5 = arith.constant 128 : i32
    %scan3A_6 = arith.addi %scan3A_4, %scan3A_5 : i32
    %scan3A_7 = arith.constant 1 : i32
    %scan3A_8 = scf.for %scan3A_65 = %scan3A_4 to %scan3A_6 step %scan3A_7 iter_args(%scan3A_66 = %scan3A) -> (i32)  : i32 {
      %swap3A = arith.index_cast %scan3A_65 : i32 to index
      %swap3A_67 = arith.constant 0 : index
      %swap3A_68 = tpu.vector_load %arg6[%swap3A, %swap3A_67] {strides = array<i32>} : memref<128x128xf32, #tpu.memory_space<vmem>>, vector<1x16xf32>,
      %swap3A_69 = vector.shape_cast %swap3A_68 : vector<1x16xf32> to vector<16xf32>
      %swap3A_70 = vector.shape_cast %broadcast_in_dim3A_3 : vector<16xf32> to vector<1x16xf32>
      tpu.vector_store %arg6[%swap3A, %swap3A_67], %swap3A_70 {strides = array<i32>} : memref<128x128xf32, #tpu.memory_space<vmem>>, vector<1x16xf32>,
      %swap3A_71 = arith.index_cast %scan3A_65 : i32 to index
      %swap3A_72 = arith.constant 16 : index
      %swap3A_73 = tpu.vector_load %arg6[%swap3A_71, %swap3A_72] {strides = array<i32>} : memref<128x128xf32, #tpu.memory_space<vmem>>, vector<1x16xf32>,
      %swap3A_74 = vector.shape_cast %swap3A_73 : vector<1x16xf32> to vector<16xf32>
      %swap3A_75 = vector.shape_cast %broadcast_in_dim3A_3 : vector<16xf32> to vector<1x16xf32>
      tpu.vector_store %arg6[%swap3A_71, %swap3A_72], %swap3A_75 {strides = array<i32>} : memref<128x128xf32, #tpu.memory_space<vmem>>, vector<1x16xf32>,
      %swap3A_76 = arith.index_cast %scan3A_65 : i32 to index
      %swap3A_77 = arith.constant 32 : index
      %swap3A_78 = tpu.vector_load %arg6[%swap3A_76, %swap3A_77] {strides = array<i32>} : memref<128x128xf32, #tpu.memory_space<vmem>>, vector<1x16xf32>,
      %swap3A_79 = vector.shape_cast %swap3A_78 : vector<1x16xf32> to vector<16xf32>
      %swap3A_80 = vector.shape_cast %broadcast_in_dim3A_3 : vector<16xf32> to vector<1x16xf32>
      tpu.vector_store %arg6[%swap3A_76, %swap3A_77], %swap3A_80 {strides = array<i32>} : memref<128x128xf32, #tpu.memory_space<vmem>>, vector<1x16xf32>,
      %swap3A_81 = arith.index_cast %scan3A_65 : i32 to index
      %swap3A_82 = arith.constant 48 : index
      %swap3A_83 = tpu.vector_load %arg6[%swap3A_81, %swap3A_82] {strides = array<i32>} : memref<128x128xf32, #tpu.memory_space<vmem>>, vector<1x16xf32>,
      %swap3A_84 = vector.shape_cast %swap3A_83 : vector<1x16xf32> to vector<16xf32>
      %swap3A_85 = vector.shape_cast %broadcast_in_dim3A_3 : vector<16xf32> to vector<1x16xf32>
      tpu.vector_store %arg6[%swap3A_81, %swap3A_82], %swap3A_85 {strides = array<i32>} : memref<128x128xf32, #tpu.memory_space<vmem>>, vector<1x16xf32>,
      %swap3A_86 = arith.index_cast %scan3A_65 : i32 to index
      %swap3A_87 = arith.constant 64 : index
      %swap3A_88 = tpu.vector_load %arg6[%swap3A_86, %swap3A_87] {strides = array<i32>} : memref<128x128xf32, #tpu.memory_space<vmem>>, vector<1x16xf32>,
      %swap3A_89 = vector.shape_cast %swap3A_88 : vector<1x16xf32> to vector<16xf32>
      %swap3A_90 = vector.shape_cast %broadcast_in_dim3A_3 : vector<16xf32> to vector<1x16xf32>
      tpu.vector_store %arg6[%swap3A_86, %swap3A_87], %swap3A_90 {strides = array<i32>} : memref<128x128xf32, #tpu.memory_space<vmem>>, vector<1x16xf32>,
      %swap3A_91 = arith.index_cast %scan3A_65 : i32 to index
      %swap3A_92 = arith.constant 80 : index
      %swap3A_93 = tpu.vector_load %arg6[%swap3A_91, %swap3A_92] {strides = array<i32>} : memref<128x128xf32, #tpu.memory_space<vmem>>, vector<1x16xf32>,
      %swap3A_94 = vector.shape_cast %swap3A_93 : vector<1x16xf32> to vector<16xf32>
      %swap3A_95 = vector.shape_cast %broadcast_in_dim3A_3 : vector<16xf32> to vector<1x16xf32>
      tpu.vector_store %arg6[%swap3A_91, %swap3A_92], %swap3A_95 {strides = array<i32>} : memref<128x128xf32, #tpu.memory_space<vmem>>, vector<1x16xf32>,
      %swap3A_96 = arith.index_cast %scan3A_65 : i32 to index
      %swap3A_97 = arith.constant 96 : index
      %swap3A_98 = tpu.vector_load %arg6[%swap3A_96, %swap3A_97] {strides = array<i32>} : memref<128x128xf32, #tpu.memory_space<vmem>>, vector<1x16xf32>,
      %swap3A_99 = vector.shape_cast %swap3A_98 : vector<1x16xf32> to vector<16xf32>
      %swap3A_100 = vector.shape_cast %broadcast_in_dim3A_3 : vector<16xf32> to vector<1x16xf32>
      tpu.vector_store %arg6[%swap3A_96, %swap3A_97], %swap3A_100 {strides = array<i32>} : memref<128x128xf32, #tpu.memory_space<vmem>>, vector<1x16xf32>,
      %swap3A_101 = arith.index_cast %scan3A_65 : i32 to index
      %swap3A_102 = arith.constant 112 : index
      %swap3A_103 = tpu.vector_load %arg6[%swap3A_101, %swap3A_102] {strides = array<i32>} : memref<128x128xf32, #tpu.memory_space<vmem>>, vector<1x16xf32>,
      %swap3A_104 = vector.shape_cast %swap3A_103 : vector<1x16xf32> to vector<16xf32>
      %swap3A_105 = vector.shape_cast %broadcast_in_dim3A_3 : vector<16xf32> to vector<1x16xf32>
      tpu.vector_store %arg6[%swap3A_101, %swap3A_102], %swap3A_105 {strides = array<i32>} : memref<128x128xf32, #tpu.memory_space<vmem>>, vector<1x16xf32>,
      %scan3A_106 = arith.constant 0 : i32
      scf.yield %scan3A_106 : i32
    }
    %scan3A_9 = arith.constant 128 : i32
    %scan3A_10 = arith.constant 0 : i32
    %scan3A_11 = arith.constant 0 : i32
    %scan3A_12 = arith.constant 5 : i32
    %scan3A_13 = arith.addi %scan3A_11, %scan3A_12 : i32
    %scan3A_14 = arith.constant 1 : i32
    %scan3A_15 = scf.for %scan3A_65 = %scan3A_11 to %scan3A_13 step %scan3A_14 iter_args(%scan3A_66 = %scan3A_10) -> (i32)  : i32 {
      %mul3A_67 = arith.constant 640 : i32
      %mul3A_68 = arith.muli %arg1, %mul3A_67 : i32
      %mul3A_69 = arith.constant 128 : i32
      %mul3A_70 = arith.muli %scan3A_65, %mul3A_69 : i32
      %add3A_71 = arith.addi %mul3A_68, %mul3A_70 : i32
      "tpu.region"() ({
        %run_scoped3A = tpu.sem_alloc : memref<!tpu.dma_semaphore, #tpu.memory_space<semaphore_mem>>
        %dma_start3A_73 = arith.constant 0 : i32
        %dma_start3A_74 = tpu.memref_slice %arg12[%add3A_71, %dma_start3A_73] : memref<10240x128xf32, #tpu.memory_space<vmem_shared>> -> memref<128x128xf32, #tpu.memory_space<vmem_shared>>
        %dma_start3A_75 = arith.constant 0 : i32
        %dma_start3A_76 = tpu.memref_slice %arg12[%add3A_71, %dma_start3A_75] : memref<10240x128xf32, #tpu.memory_space<vmem_shared>> -> memref<128x128xf32, #tpu.memory_space<vmem_shared>>
        tpu.enqueue_dma source(%arg6 : memref<128x128xf32, #tpu.memory_space<vmem>>) target(%dma_start3A_76 : memref<128x128xf32, #tpu.memory_space<vmem_shared>>) target_semaphore(%run_scoped3A : memref<!tpu.dma_semaphore, #tpu.memory_space<semaphore_mem>>)
        %dma_wait3A_77 = arith.constant 0 : i32
        %dma_wait3A_78 = tpu.memref_slice %arg12[%add3A_71, %dma_wait3A_77] : memref<10240x128xf32, #tpu.memory_space<vmem_shared>> -> memref<128x128xf32, #tpu.memory_space<vmem_shared>>
        %dma_wait3A_79 = arith.constant 0 : i32
        %dma_wait3A_80 = tpu.memref_slice %arg12[%add3A_71, %dma_wait3A_79] : memref<10240x128xf32, #tpu.memory_space<vmem_shared>> -> memref<128x128xf32, #tpu.memory_space<vmem_shared>>
        tpu.wait_dma2 semaphore(%run_scoped3A : memref<!tpu.dma_semaphore, #tpu.memory_space<semaphore_mem>>) src(%arg6 : memref<128x128xf32, #tpu.memory_space<vmem>>) dst(%dma_wait3A_80 : memref<128x128xf32, #tpu.memory_space<vmem_shared>>)
        tpu.yield
      }) : () -> ()
      %scan3A_72 = arith.constant 0 : i32
      scf.yield %scan3A_72 : i32
    }
    %scan3A_16 = arith.constant 5 : i32
    %barrier3A = arith.constant 0 : index
    tpu.barrier barrier_id(%barrier3A)
    %add3A_17 = arith.constant 0 : i32
    %add3A_18 = arith.addi %mul3A_2, %add3A_17 : i32
    %dma_start3A = tpu.memref_slice %arg3[%add3A_18] : memref<327680xi32, #tpu.memory_space<hbm>> -> memref<128xi32, #tpu.memory_space<hbm>>
    %dma_start3A_19 = tpu.memref_slice %arg3[%add3A_18] : memref<327680xi32, #tpu.memory_space<hbm>> -> memref<128xi32, #tpu.memory_space<hbm>>
    tpu.enqueue_dma source(%dma_start3A_19 : memref<128xi32, #tpu.memory_space<hbm>>) target(%arg8 : memref<128xi32, #tpu.memory_space<vmem>>) target_semaphore(%arg17 : memref<!tpu.dma_semaphore, #tpu.memory_space<semaphore_mem>>)
    %add3A_20 = arith.constant 0 : i32
    %add3A_21 = arith.addi %mul3A_2, %add3A_20 : i32
    %dma_start3A_22 = tpu.memref_slice %arg4[%add3A_21] : memref<327680xi32, #tpu.memory_space<hbm>> -> memref<128xi32, #tpu.memory_space<hbm>>
    %dma_start3A_23 = tpu.memref_slice %arg4[%add3A_21] : memref<327680xi32, #tpu.memory_space<hbm>> -> memref<128xi32, #tpu.memory_space<hbm>>
    tpu.enqueue_dma source(%dma_start3A_23 : memref<128xi32, #tpu.memory_space<hbm>>) target(%arg10 : memref<128xi32, #tpu.memory_space<vmem>>) target_semaphore(%arg17 : memref<!tpu.dma_semaphore, #tpu.memory_space<semaphore_mem>>)
    %dma_wait3A = arith.constant 0 : i32
    %dma_wait3A_24 = tpu.memref_slice %arg3[%dma_wait3A] : memref<327680xi32, #tpu.memory_space<hbm>> -> memref<128xi32, #tpu.memory_space<hbm>>
    %dma_wait3A_25 = arith.constant 0 : i32
    %dma_wait3A_26 = tpu.memref_slice %arg3[%dma_wait3A_25] : memref<327680xi32, #tpu.memory_space<hbm>> -> memref<128xi32, #tpu.memory_space<hbm>>
    tpu.wait_dma2 semaphore(%arg17 : memref<!tpu.dma_semaphore, #tpu.memory_space<semaphore_mem>>) src(%dma_wait3A_26 : memref<128xi32, #tpu.memory_space<hbm>>) dst(%arg8 : memref<128xi32, #tpu.memory_space<vmem>>)
    %dma_wait3A_27 = arith.constant 0 : i32
    %dma_wait3A_28 = tpu.memref_slice %arg4[%dma_wait3A_27] : memref<327680xi32, #tpu.memory_space<hbm>> -> memref<128xi32, #tpu.memory_space<hbm>>
    %dma_wait3A_29 = arith.constant 0 : i32
    %dma_wait3A_30 = tpu.memref_slice %arg4[%dma_wait3A_29] : memref<327680xi32, #tpu.memory_space<hbm>> -> memref<128xi32, #tpu.memory_space<hbm>>
    tpu.wait_dma2 semaphore(%arg17 : memref<!tpu.dma_semaphore, #tpu.memory_space<semaphore_mem>>) src(%dma_wait3A_30 : memref<128xi32, #tpu.memory_space<hbm>>) dst(%arg10 : memref<128xi32, #tpu.memory_space<vmem>>)
    %dma_start3A_31 = arith.constant 0 : i32
    %dma_start3A_32 = arith.constant 0 : i32
    %dma_start3A_33 = tpu.memref_slice %arg2[%dma_start3A_31, %dma_start3A_32] : memref<10240x128xf32, #tpu.memory_space<hbm>> -> memref<10240x128xf32, #tpu.memory_space<hbm>>
    tpu.enqueue_indirect_dma source(%dma_start3A_33 : memref<10240x128xf32, #tpu.memory_space<hbm>>) target(%arg6 : memref<128x128xf32, #tpu.memory_space<vmem>>) offsets(%arg8 : memref<128xi32, #tpu.memory_space<vmem>>) semaphore(%arg13 : memref<!tpu.dma_semaphore, #tpu.memory_space<semaphore_mem>>)
    %add3A_34 = arith.constant 128 : i32
    %add3A_35 = arith.addi %mul3A_2, %add3A_34 : i32
    %dma_start3A_36 = tpu.memref_slice %arg3[%add3A_35] : memref<327680xi32, #tpu.memory_space<hbm>> -> memref<128xi32, #tpu.memory_space<hbm>>
    %dma_start3A_37 = tpu.memref_slice %arg3[%add3A_35] : memref<327680xi32, #tpu.memory_space<hbm>> -> memref<128xi32, #tpu.memory_space<hbm>>
    tpu.enqueue_dma source(%dma_start3A_37 : memref<128xi32, #tpu.memory_space<hbm>>) target(%arg9 : memref<128xi32, #tpu.memory_space<vmem>>) target_semaphore(%arg18 : memref<!tpu.dma_semaphore, #tpu.memory_space<semaphore_mem>>)
    %add3A_38 = arith.constant 128 : i32
    %add3A_39 = arith.addi %mul3A_2, %add3A_38 : i32
    %dma_start3A_40 = tpu.memref_slice %arg4[%add3A_39] : memref<327680xi32, #tpu.memory_space<hbm>> -> memref<128xi32, #tpu.memory_space<hbm>>
    %dma_start3A_41 = tpu.memref_slice %arg4[%add3A_39] : memref<327680xi32, #tpu.memory_space<hbm>> -> memref<128xi32, #tpu.memory_space<hbm>>
    tpu.enqueue_dma source(%dma_start3A_41 : memref<128xi32, #tpu.memory_space<hbm>>) target(%arg11 : memref<128xi32, #tpu.memory_space<vmem>>) target_semaphore(%arg18 : memref<!tpu.dma_semaphore, #tpu.memory_space<semaphore_mem>>)
    %dma_wait3A_42 = arith.constant 0 : i32
    %dma_wait3A_43 = tpu.memref_slice %arg3[%dma_wait3A_42] : memref<327680xi32, #tpu.memory_space<hbm>> -> memref<128xi32, #tpu.memory_space<hbm>>
    %dma_wait3A_44 = arith.constant 0 : i32
    %dma_wait3A_45 = tpu.memref_slice %arg3[%dma_wait3A_44] : memref<327680xi32, #tpu.memory_space<hbm>> -> memref<128xi32, #tpu.memory_space<hbm>>
    tpu.wait_dma2 semaphore(%arg18 : memref<!tpu.dma_semaphore, #tpu.memory_space<semaphore_mem>>) src(%dma_wait3A_45 : memref<128xi32, #tpu.memory_space<hbm>>) dst(%arg9 : memref<128xi32, #tpu.memory_space<vmem>>)
    %dma_wait3A_46 = arith.constant 0 : i32
    %dma_wait3A_47 = tpu.memref_slice %arg4[%dma_wait3A_46] : memref<327680xi32, #tpu.memory_space<hbm>> -> memref<128xi32, #tpu.memory_space<hbm>>
    %dma_wait3A_48 = arith.constant 0 : i32
    %dma_wait3A_49 = tpu.memref_slice %arg4[%dma_wait3A_48] : memref<327680xi32, #tpu.memory_space<hbm>> -> memref<128xi32, #tpu.memory_space<hbm>>
    tpu.wait_dma2 semaphore(%arg18 : memref<!tpu.dma_semaphore, #tpu.memory_space<semaphore_mem>>) src(%dma_wait3A_49 : memref<128xi32, #tpu.memory_space<hbm>>) dst(%arg11 : memref<128xi32, #tpu.memory_space<vmem>>)
    %dma_start3A_50 = arith.constant 0 : i32
    %dma_start3A_51 = arith.constant 0 : i32
    %dma_start3A_52 = tpu.memref_slice %arg2[%dma_start3A_50, %dma_start3A_51] : memref<10240x128xf32, #tpu.memory_space<hbm>> -> memref<10240x128xf32, #tpu.memory_space<hbm>>
    tpu.enqueue_indirect_dma source(%dma_start3A_52 : memref<10240x128xf32, #tpu.memory_space<hbm>>) target(%arg7 : memref<128x128xf32, #tpu.memory_space<vmem>>) offsets(%arg9 : memref<128xi32, #tpu.memory_space<vmem>>) semaphore(%arg14 : memref<!tpu.dma_semaphore, #tpu.memory_space<semaphore_mem>>)
    %scan3A_53 = arith.constant 0 : i32
    %scan3A_54 = arith.constant 0 : i32
    %scan3A_55 = arith.constant 40 : i32
    %scan3A_56 = arith.addi %scan3A_54, %scan3A_55 : i32
    %scan3A_57 = arith.constant 1 : i32
    %scan3A_58 = scf.for %scan3A_65 = %scan3A_54 to %scan3A_56 step %scan3A_57 iter_args(%scan3A_66 = %scan3A_53) -> (i32)  : i32 {
      %dma_wait3A_67 = arith.constant 0 : i32
      %dma_wait3A_68 = arith.constant 0 : i32
      %dma_wait3A_69 = tpu.memref_slice %arg2[%dma_wait3A_67, %dma_wait3A_68] : memref<10240x128xf32, #tpu.memory_space<hbm>> -> memref<10240x128xf32, #tpu.memory_space<hbm>>
      tpu.wait_indirect_dma semaphore(%arg13 : memref<!tpu.dma_semaphore, #tpu.memory_space<semaphore_mem>>) src(%dma_wait3A_69 : memref<10240x128xf32, #tpu.memory_space<hbm>>) dst(%arg6 : memref<128x128xf32, #tpu.memory_space<vmem>>)
      %dma_start3A_70 = arith.constant 0 : i32
      %dma_start3A_71 = arith.constant 0 : i32
      %dma_start3A_72 = tpu.memref_slice %arg12[%dma_start3A_70, %dma_start3A_71] : memref<10240x128xf32, #tpu.memory_space<vmem_shared>> -> memref<10240x128xf32, #tpu.memory_space<vmem_shared>>
      tpu.enqueue_indirect_dma source(%arg6 : memref<128x128xf32, #tpu.memory_space<vmem>>) target(%dma_start3A_72 : memref<10240x128xf32, #tpu.memory_space<vmem_shared>>) offsets(%arg10 : memref<128xi32, #tpu.memory_space<vmem>>) semaphore(%arg15 : memref<!tpu.dma_semaphore, #tpu.memory_space<semaphore_mem>>) {add = true}
      %dma_wait3A_73 = arith.constant 0 : i32
      %dma_wait3A_74 = arith.constant 0 : i32
      %dma_wait3A_75 = tpu.memref_slice %arg2[%dma_wait3A_73, %dma_wait3A_74] : memref<10240x128xf32, #tpu.memory_space<hbm>> -> memref<10240x128xf32, #tpu.memory_space<hbm>>
      tpu.wait_indirect_dma semaphore(%arg14 : memref<!tpu.dma_semaphore, #tpu.memory_space<semaphore_mem>>) src(%dma_wait3A_75 : memref<10240x128xf32, #tpu.memory_space<hbm>>) dst(%arg7 : memref<128x128xf32, #tpu.memory_space<vmem>>)
      %dma_start3A_76 = arith.constant 0 : i32
      %dma_start3A_77 = arith.constant 0 : i32
      %dma_start3A_78 = tpu.memref_slice %arg12[%dma_start3A_76, %dma_start3A_77] : memref<10240x128xf32, #tpu.memory_space<vmem_shared>> -> memref<10240x128xf32, #tpu.memory_space<vmem_shared>>
      tpu.enqueue_indirect_dma source(%arg7 : memref<128x128xf32, #tpu.memory_space<vmem>>) target(%dma_start3A_78 : memref<10240x128xf32, #tpu.memory_space<vmem_shared>>) offsets(%arg11 : memref<128xi32, #tpu.memory_space<vmem>>) semaphore(%arg16 : memref<!tpu.dma_semaphore, #tpu.memory_space<semaphore_mem>>) {add = true}
      %lt3A = arith.constant 39 : i32
      %lt3A_79 = arith.cmpi slt, %scan3A_65, %lt3A : i32
      %convert_element_type3A = arith.extui %lt3A_79 : i1 to i32
      %cond3A = arith.constant 0 : i32
      %cond3A_80 = arith.cmpi ne, %convert_element_type3A, %cond3A : i32
      scf.if %cond3A_80 {
        %dma_wait3A_86 = arith.constant 0 : i32
        %dma_wait3A_87 = arith.constant 0 : i32
        %dma_wait3A_88 = tpu.memref_slice %arg12[%dma_wait3A_86, %dma_wait3A_87] : memref<10240x128xf32, #tpu.memory_space<vmem_shared>> -> memref<10240x128xf32, #tpu.memory_space<vmem_shared>>
        tpu.wait_indirect_dma semaphore(%arg15 : memref<!tpu.dma_semaphore, #tpu.memory_space<semaphore_mem>>) src(%arg6 : memref<128x128xf32, #tpu.memory_space<vmem>>) dst(%dma_wait3A_88 : memref<10240x128xf32, #tpu.memory_space<vmem_shared>>)
        %mul3A_89 = arith.constant 2 : i32
        %mul3A_90 = arith.muli %mul3A_89, %scan3A_65 : i32
        %add3A_91 = arith.constant 2 : i32
        %add3A_92 = arith.addi %mul3A_90, %add3A_91 : i32
        %mul3A_93 = arith.constant 128 : i32
        %mul3A_94 = arith.muli %add3A_92, %mul3A_93 : i32
        %add3A_95 = arith.addi %mul3A_2, %mul3A_94 : i32
        %dma_start3A_96 = tpu.memref_slice %arg3[%add3A_95] : memref<327680xi32, #tpu.memory_space<hbm>> -> memref<128xi32, #tpu.memory_space<hbm>>
        %dma_start3A_97 = tpu.memref_slice %arg3[%add3A_95] : memref<327680xi32, #tpu.memory_space<hbm>> -> memref<128xi32, #tpu.memory_space<hbm>>
        tpu.enqueue_dma source(%dma_start3A_97 : memref<128xi32, #tpu.memory_space<hbm>>) target(%arg8 : memref<128xi32, #tpu.memory_space<vmem>>) target_semaphore(%arg17 : memref<!tpu.dma_semaphore, #tpu.memory_space<semaphore_mem>>)
        %mul3A_98 = arith.constant 128 : i32
        %mul3A_99 = arith.muli %add3A_92, %mul3A_98 : i32
        %add3A_100 = arith.addi %mul3A_2, %mul3A_99 : i32
        %dma_start3A_101 = tpu.memref_slice %arg4[%add3A_100] : memref<327680xi32, #tpu.memory_space<hbm>> -> memref<128xi32, #tpu.memory_space<hbm>>
        %dma_start3A_102 = tpu.memref_slice %arg4[%add3A_100] : memref<327680xi32, #tpu.memory_space<hbm>> -> memref<128xi32, #tpu.memory_space<hbm>>
        tpu.enqueue_dma source(%dma_start3A_102 : memref<128xi32, #tpu.memory_space<hbm>>) target(%arg10 : memref<128xi32, #tpu.memory_space<vmem>>) target_semaphore(%arg17 : memref<!tpu.dma_semaphore, #tpu.memory_space<semaphore_mem>>)
        %dma_wait3A_103 = arith.constant 0 : i32
        %dma_wait3A_104 = tpu.memref_slice %arg3[%dma_wait3A_103] : memref<327680xi32, #tpu.memory_space<hbm>> -> memref<128xi32, #tpu.memory_space<hbm>>
        %dma_wait3A_105 = arith.constant 0 : i32
        %dma_wait3A_106 = tpu.memref_slice %arg3[%dma_wait3A_105] : memref<327680xi32, #tpu.memory_space<hbm>> -> memref<128xi32, #tpu.memory_space<hbm>>
        tpu.wait_dma2 semaphore(%arg17 : memref<!tpu.dma_semaphore, #tpu.memory_space<semaphore_mem>>) src(%dma_wait3A_106 : memref<128xi32, #tpu.memory_space<hbm>>) dst(%arg8 : memref<128xi32, #tpu.memory_space<vmem>>)
        %dma_wait3A_107 = arith.constant 0 : i32
        %dma_wait3A_108 = tpu.memref_slice %arg4[%dma_wait3A_107] : memref<327680xi32, #tpu.memory_space<hbm>> -> memref<128xi32, #tpu.memory_space<hbm>>
        %dma_wait3A_109 = arith.constant 0 : i32
        %dma_wait3A_110 = tpu.memref_slice %arg4[%dma_wait3A_109] : memref<327680xi32, #tpu.memory_space<hbm>> -> memref<128xi32, #tpu.memory_space<hbm>>
        tpu.wait_dma2 semaphore(%arg17 : memref<!tpu.dma_semaphore, #tpu.memory_space<semaphore_mem>>) src(%dma_wait3A_110 : memref<128xi32, #tpu.memory_space<hbm>>) dst(%arg10 : memref<128xi32, #tpu.memory_space<vmem>>)
        %dma_start3A_111 = arith.constant 0 : i32
        %dma_start3A_112 = arith.constant 0 : i32
        %dma_start3A_113 = tpu.memref_slice %arg2[%dma_start3A_111, %dma_start3A_112] : memref<10240x128xf32, #tpu.memory_space<hbm>> -> memref<10240x128xf32, #tpu.memory_space<hbm>>
        tpu.enqueue_indirect_dma source(%dma_start3A_113 : memref<10240x128xf32, #tpu.memory_space<hbm>>) target(%arg6 : memref<128x128xf32, #tpu.memory_space<vmem>>) offsets(%arg8 : memref<128xi32, #tpu.memory_space<vmem>>) semaphore(%arg13 : memref<!tpu.dma_semaphore, #tpu.memory_space<semaphore_mem>>)
        %dma_wait3A_114 = arith.constant 0 : i32
        %dma_wait3A_115 = arith.constant 0 : i32
        %dma_wait3A_116 = tpu.memref_slice %arg12[%dma_wait3A_114, %dma_wait3A_115] : memref<10240x128xf32, #tpu.memory_space<vmem_shared>> -> memref<10240x128xf32, #tpu.memory_space<vmem_shared>>
        tpu.wait_indirect_dma semaphore(%arg16 : memref<!tpu.dma_semaphore, #tpu.memory_space<semaphore_mem>>) src(%arg7 : memref<128x128xf32, #tpu.memory_space<vmem>>) dst(%dma_wait3A_116 : memref<10240x128xf32, #tpu.memory_space<vmem_shared>>)
        %mul3A_117 = arith.constant 2 : i32
        %mul3A_118 = arith.muli %mul3A_117, %scan3A_65 : i32
        %add3A_119 = arith.constant 3 : i32
        %add3A_120 = arith.addi %mul3A_118, %add3A_119 : i32
        %mul3A_121 = arith.constant 128 : i32
        %mul3A_122 = arith.muli %add3A_120, %mul3A_121 : i32
        %add3A_123 = arith.addi %mul3A_2, %mul3A_122 : i32
        %dma_start3A_124 = tpu.memref_slice %arg3[%add3A_123] : memref<327680xi32, #tpu.memory_space<hbm>> -> memref<128xi32, #tpu.memory_space<hbm>>
        %dma_start3A_125 = tpu.memref_slice %arg3[%add3A_123] : memref<327680xi32, #tpu.memory_space<hbm>> -> memref<128xi32, #tpu.memory_space<hbm>>
        tpu.enqueue_dma source(%dma_start3A_125 : memref<128xi32, #tpu.memory_space<hbm>>) target(%arg9 : memref<128xi32, #tpu.memory_space<vmem>>) target_semaphore(%arg18 : memref<!tpu.dma_semaphore, #tpu.memory_space<semaphore_mem>>)
        %mul3A_126 = arith.constant 128 : i32
        %mul3A_127 = arith.muli %add3A_120, %mul3A_126 : i32
        %add3A_128 = arith.addi %mul3A_2, %mul3A_127 : i32
        %dma_start3A_129 = tpu.memref_slice %arg4[%add3A_128] : memref<327680xi32, #tpu.memory_space<hbm>> -> memref<128xi32, #tpu.memory_space<hbm>>
        %dma_start3A_130 = tpu.memref_slice %arg4[%add3A_128] : memref<327680xi32, #tpu.memory_space<hbm>> -> memref<128xi32, #tpu.memory_space<hbm>>
        tpu.enqueue_dma source(%dma_start3A_130 : memref<128xi32, #tpu.memory_space<hbm>>) target(%arg11 : memref<128xi32, #tpu.memory_space<vmem>>) target_semaphore(%arg18 : memref<!tpu.dma_semaphore, #tpu.memory_space<semaphore_mem>>)
        %dma_wait3A_131 = arith.constant 0 : i32
        %dma_wait3A_132 = tpu.memref_slice %arg3[%dma_wait3A_131] : memref<327680xi32, #tpu.memory_space<hbm>> -> memref<128xi32, #tpu.memory_space<hbm>>
        %dma_wait3A_133 = arith.constant 0 : i32
        %dma_wait3A_134 = tpu.memref_slice %arg3[%dma_wait3A_133] : memref<327680xi32, #tpu.memory_space<hbm>> -> memref<128xi32, #tpu.memory_space<hbm>>
        tpu.wait_dma2 semaphore(%arg18 : memref<!tpu.dma_semaphore, #tpu.memory_space<semaphore_mem>>) src(%dma_wait3A_134 : memref<128xi32, #tpu.memory_space<hbm>>) dst(%arg9 : memref<128xi32, #tpu.memory_space<vmem>>)
        %dma_wait3A_135 = arith.constant 0 : i32
        %dma_wait3A_136 = tpu.memref_slice %arg4[%dma_wait3A_135] : memref<327680xi32, #tpu.memory_space<hbm>> -> memref<128xi32, #tpu.memory_space<hbm>>
        %dma_wait3A_137 = arith.constant 0 : i32
        %dma_wait3A_138 = tpu.memref_slice %arg4[%dma_wait3A_137] : memref<327680xi32, #tpu.memory_space<hbm>> -> memref<128xi32, #tpu.memory_space<hbm>>
        tpu.wait_dma2 semaphore(%arg18 : memref<!tpu.dma_semaphore, #tpu.memory_space<semaphore_mem>>) src(%dma_wait3A_138 : memref<128xi32, #tpu.memory_space<hbm>>) dst(%arg11 : memref<128xi32, #tpu.memory_space<vmem>>)
        %dma_start3A_139 = arith.constant 0 : i32
        %dma_start3A_140 = arith.constant 0 : i32
        %dma_start3A_141 = tpu.memref_slice %arg2[%dma_start3A_139, %dma_start3A_140] : memref<10240x128xf32, #tpu.memory_space<hbm>> -> memref<10240x128xf32, #tpu.memory_space<hbm>>
        tpu.enqueue_indirect_dma source(%dma_start3A_141 : memref<10240x128xf32, #tpu.memory_space<hbm>>) target(%arg7 : memref<128x128xf32, #tpu.memory_space<vmem>>) offsets(%arg9 : memref<128xi32, #tpu.memory_space<vmem>>) semaphore(%arg14 : memref<!tpu.dma_semaphore, #tpu.memory_space<semaphore_mem>>)
      } else {
      }
      %ge3A = arith.constant 39 : i32
      %ge3A_81 = arith.cmpi sge, %scan3A_65, %ge3A : i32
      %convert_element_type3A_82 = arith.extui %ge3A_81 : i1 to i32
      %cond3A_83 = arith.constant 0 : i32
      %cond3A_84 = arith.cmpi ne, %convert_element_type3A_82, %cond3A_83 : i32
      scf.if %cond3A_84 {
        %dma_wait3A_86 = arith.constant 0 : i32
        %dma_wait3A_87 = arith.constant 0 : i32
        %dma_wait3A_88 = tpu.memref_slice %arg12[%dma_wait3A_86, %dma_wait3A_87] : memref<10240x128xf32, #tpu.memory_space<vmem_shared>> -> memref<10240x128xf32, #tpu.memory_space<vmem_shared>>
        tpu.wait_indirect_dma semaphore(%arg15 : memref<!tpu.dma_semaphore, #tpu.memory_space<semaphore_mem>>) src(%arg6 : memref<128x128xf32, #tpu.memory_space<vmem>>) dst(%dma_wait3A_88 : memref<10240x128xf32, #tpu.memory_space<vmem_shared>>)
        %dma_wait3A_89 = arith.constant 0 : i32
        %dma_wait3A_90 = arith.constant 0 : i32
        %dma_wait3A_91 = tpu.memref_slice %arg12[%dma_wait3A_89, %dma_wait3A_90] : memref<10240x128xf32, #tpu.memory_space<vmem_shared>> -> memref<10240x128xf32, #tpu.memory_space<vmem_shared>>
        tpu.wait_indirect_dma semaphore(%arg16 : memref<!tpu.dma_semaphore, #tpu.memory_space<semaphore_mem>>) src(%arg7 : memref<128x128xf32, #tpu.memory_space<vmem>>) dst(%dma_wait3A_91 : memref<10240x128xf32, #tpu.memory_space<vmem_shared>>)
      } else {
      }
      %scan3A_85 = arith.constant 0 : i32
      scf.yield %scan3A_85 : i32
    }
    %scan3A_59 = arith.constant 40 : i32
    %barrier3A_60 = arith.constant 0 : index
    tpu.barrier barrier_id(%barrier3A_60)
    %mul3A_61 = arith.constant 640 : i32
    %mul3A_62 = arith.muli %arg1, %mul3A_61 : i32
    %mul3A_63 = arith.constant 640 : i32
    %mul3A_64 = arith.muli %arg1, %mul3A_63 : i32
    "tpu.region"() ({
      %run_scoped3A = tpu.sem_alloc : memref<!tpu.dma_semaphore, #tpu.memory_space<semaphore_mem>>
      %dma_start3A_65 = arith.constant 0 : i32
      %dma_start3A_66 = tpu.memref_slice %arg5[%arg0, %mul3A_64, %dma_start3A_65] : memref<2x10240x128xf32, #tpu.memory_space<hbm>> -> memref<1x640x128xf32, #tpu.memory_space<hbm>>
      %dma_start3A_67 = tpu.memref_squeeze %dma_start3A_66 : memref<1x640x128xf32, #tpu.memory_space<hbm>> -> memref<640x128xf32, #tpu.memory_space<hbm>>
      %dma_start3A_68 = arith.constant 0 : i32
      %dma_start3A_69 = tpu.memref_slice %arg12[%mul3A_62, %dma_start3A_68] : memref<10240x128xf32, #tpu.memory_space<vmem_shared>> -> memref<640x128xf32, #tpu.memory_space<vmem_shared>>
      tpu.enqueue_dma source(%dma_start3A_69 : memref<640x128xf32, #tpu.memory_space<vmem_shared>>) target(%dma_start3A_67 : memref<640x128xf32, #tpu.memory_space<hbm>>) target_semaphore(%run_scoped3A : memref<!tpu.dma_semaphore, #tpu.memory_space<semaphore_mem>>)
      %dma_wait3A_70 = arith.constant 0 : i32
      %dma_wait3A_71 = tpu.memref_slice %arg5[%arg0, %mul3A_64, %dma_wait3A_70] : memref<2x10240x128xf32, #tpu.memory_space<hbm>> -> memref<1x640x128xf32, #tpu.memory_space<hbm>>
      %dma_wait3A_72 = tpu.memref_squeeze %dma_wait3A_71 : memref<1x640x128xf32, #tpu.memory_space<hbm>> -> memref<640x128xf32, #tpu.memory_space<hbm>>
      %dma_wait3A_73 = arith.constant 0 : i32
      %dma_wait3A_74 = tpu.memref_slice %arg12[%mul3A_62, %dma_wait3A_73] : memref<10240x128xf32, #tpu.memory_space<vmem_shared>> -> memref<640x128xf32, #tpu.memory_space<vmem_shared>>
      tpu.wait_dma2 semaphore(%run_scoped3A : memref<!tpu.dma_semaphore, #tpu.memory_space<semaphore_mem>>) src(%dma_wait3A_74 : memref<640x128xf32, #tpu.memory_space<vmem_shared>>) dst(%dma_wait3A_72 : memref<640x128xf32, #tpu.memory_space<hbm>>)
      tpu.yield
    }) : () -> ()
    return
  }
}

module attributes {stable_mosaic.version = 14 : i64} {
  func.func @_prep_kernel(%arg0: memref<10240x128xf32, #tpu.memory_space<vmem>>, %arg1: memref<2x10240xf32, #tpu.memory_space<vmem>>, %arg2: memref<10240x128xf32, #tpu.memory_space<vmem>>, %arg3: memref<10240xf32, #tpu.memory_space<vmem>>, %arg4: memref<10240xf32, #tpu.memory_space<vmem>>) attributes {dimension_semantics = [], scalar_prefetch = 0 : i64, scratch_operands = 0 : i64, tpu.core_type = #tpu.core_type<tc>} {
    %get3A = arith.constant 0 : index
    %get3A_0 = arith.constant 0 : index
    %get3A_1 = vector.load %arg1[%get3A, %get3A_0] : memref<2x10240xf32, #tpu.memory_space<vmem>>, vector<1x10240xf32>
    %get3A_2 = vector.shape_cast %get3A_1 : vector<1x10240xf32> to vector<10240xf32>
    %get3A_3 = arith.constant 1 : index
    %get3A_4 = arith.constant 0 : index
    %get3A_5 = vector.load %arg1[%get3A_3, %get3A_4] : memref<2x10240xf32, #tpu.memory_space<vmem>>, vector<1x10240xf32>
    %get3A_6 = vector.shape_cast %get3A_5 : vector<1x10240xf32> to vector<10240xf32>
    %add3A = arith.addf %get3A_2, %get3A_6 : vector<10240xf32>
    %add3A_7 = arith.constant 1.000000e+00 : f32
    %add3A_8 = vector.broadcast %add3A_7 : f32 to vector<10240xf32>
    %add3A_9 = arith.addf %add3A, %add3A_8 : vector<10240xf32>
    %rsqrt3A = math.rsqrt %add3A_9 : vector<10240xf32>
    %swap3A = arith.constant 0 : index
    %swap3A_10 = vector.load %arg3[%swap3A] : memref<10240xf32, #tpu.memory_space<vmem>>, vector<10240xf32>
    tpu.vector_store %arg3[%swap3A], %rsqrt3A {strides = array<i32>} : memref<10240xf32, #tpu.memory_space<vmem>>, vector<10240xf32>,
    %div3A = arith.constant 1.000000e+00 : f32
    %div3A_11 = vector.broadcast %div3A : f32 to vector<10240xf32>
    %div3A_12 = arith.divf %div3A_11, %add3A_9 : vector<10240xf32>
    %swap3A_13 = arith.constant 0 : index
    %swap3A_14 = vector.load %arg4[%swap3A_13] : memref<10240xf32, #tpu.memory_space<vmem>>, vector<10240xf32>
    tpu.vector_store %arg4[%swap3A_13], %div3A_12 {strides = array<i32>} : memref<10240xf32, #tpu.memory_space<vmem>>, vector<10240xf32>,
    %get3A_15 = arith.constant 0 : index
    %get3A_16 = arith.constant 0 : index
    %get3A_17 = vector.load %arg0[%get3A_15, %get3A_16] : memref<10240x128xf32, #tpu.memory_space<vmem>>, vector<10240x128xf32>
    %broadcast_in_dim3A = vector.shape_cast %rsqrt3A : vector<10240xf32> to vector<10240x1xf32>
    %mul3A = vector.broadcast %broadcast_in_dim3A : vector<10240x1xf32> to vector<10240x128xf32>
    %mul3A_18 = arith.mulf %get3A_17, %mul3A : vector<10240x128xf32>
    %swap3A_19 = arith.constant 0 : index
    %swap3A_20 = arith.constant 0 : index
    %swap3A_21 = vector.load %arg2[%swap3A_19, %swap3A_20] : memref<10240x128xf32, #tpu.memory_space<vmem>>, vector<10240x128xf32>
    tpu.vector_store %arg2[%swap3A_19, %swap3A_20], %mul3A_18 {strides = array<i32>} : memref<10240x128xf32, #tpu.memory_space<vmem>>, vector<10240x128xf32>,
    return
  }
}

module attributes {stable_mosaic.version = 14 : i64} {
  func.func @_mid_kernel(%arg0: i32, %arg1: memref<2x2048x128xf32, #tpu.memory_space<vmem>>, %arg2: memref<2048x128xf32, #tpu.memory_space<vmem>>, %arg3: memref<2048x1xf32, #tpu.memory_space<vmem>>, %arg4: memref<2048x128xf32, #tpu.memory_space<vmem>>) attributes {dimension_semantics = [#tpu.dimension_semantics<arbitrary>], iteration_bounds = array<i64: 5>, scalar_prefetch = 0 : i64, scratch_operands = 0 : i64, tpu.core_type = #tpu.core_type<tc>, window_params = [{transform_indices = @transform_0, window_bounds = array<i64: 2, 2048, 128>}, {transform_indices = @transform_1, window_bounds = array<i64: 2048, 128>}, {transform_indices = @transform_2, window_bounds = array<i64: 2048, 1>}, {transform_indices = @transform_3, window_bounds = array<i64: 2048, 128>}]} {
    %get3A = arith.constant 0 : index
    %get3A_0 = arith.constant 0 : index
    %get3A_1 = arith.constant 0 : index
    %get3A_2 = vector.load %arg1[%get3A, %get3A_0, %get3A_1] : memref<2x2048x128xf32, #tpu.memory_space<vmem>>, vector<1x2048x128xf32>
    %get3A_3 = vector.shape_cast %get3A_2 : vector<1x2048x128xf32> to vector<2048x128xf32>
    %get3A_4 = arith.constant 1 : index
    %get3A_5 = arith.constant 0 : index
    %get3A_6 = arith.constant 0 : index
    %get3A_7 = vector.load %arg1[%get3A_4, %get3A_5, %get3A_6] : memref<2x2048x128xf32, #tpu.memory_space<vmem>>, vector<1x2048x128xf32>
    %get3A_8 = vector.shape_cast %get3A_7 : vector<1x2048x128xf32> to vector<2048x128xf32>
    %add3A = arith.addf %get3A_3, %get3A_8 : vector<2048x128xf32>
    %get3A_9 = arith.constant 0 : index
    %get3A_10 = arith.constant 0 : index
    %get3A_11 = vector.load %arg2[%get3A_9, %get3A_10] : memref<2048x128xf32, #tpu.memory_space<vmem>>, vector<2048x128xf32>
    %add3A_12 = arith.addf %add3A, %get3A_11 : vector<2048x128xf32>
    %get3A_13 = arith.constant 0 : index
    %get3A_14 = arith.constant 0 : index
    %get3A_15 = vector.load %arg3[%get3A_13, %get3A_14] : memref<2048x1xf32, #tpu.memory_space<vmem>>, vector<2048x1xf32>
    %mul3A = vector.broadcast %get3A_15 : vector<2048x1xf32> to vector<2048x128xf32>
    %mul3A_16 = arith.mulf %add3A_12, %mul3A : vector<2048x128xf32>
    %swap3A = arith.constant 0 : index
    %swap3A_17 = arith.constant 0 : index
    %swap3A_18 = vector.load %arg4[%swap3A, %swap3A_17] : memref<2048x128xf32, #tpu.memory_space<vmem>>, vector<2048x128xf32>
    tpu.vector_store %arg4[%swap3A, %swap3A_17], %mul3A_16 {strides = array<i32>} : memref<2048x128xf32, #tpu.memory_space<vmem>>, vector<2048x128xf32>,
    return
  }
  func.func @transform_0(%arg0: i32) -> (i32, i32, i32) {
    %c0_i32 = arith.constant 0 : i32
    %c0_i32_0 = arith.constant 0 : i32
    %c0_i32_1 = arith.constant 0 : i32
    return %c0_i32, %arg0, %c0_i32_0 : i32, i32, i32
  }
  func.func @transform_1(%arg0: i32) -> (i32, i32) {
    %c0_i32 = arith.constant 0 : i32
    %c0_i32_0 = arith.constant 0 : i32
    return %arg0, %c0_i32 : i32, i32
  }
  func.func @transform_2(%arg0: i32) -> (i32, i32) {
    %c0_i32 = arith.constant 0 : i32
    %c0_i32_0 = arith.constant 0 : i32
    return %arg0, %c0_i32 : i32, i32
  }
  func.func @transform_3(%arg0: i32) -> (i32, i32) {
    %c0_i32 = arith.constant 0 : i32
    %c0_i32_0 = arith.constant 0 : i32
    return %arg0, %c0_i32 : i32, i32
  }
}

module attributes {stable_mosaic.version = 14 : i64} {
  func.func @_fin_kernel(%arg0: i32, %arg1: memref<2x2000x128xf32, #tpu.memory_space<vmem>>, %arg2: memref<2000x128xf32, #tpu.memory_space<vmem>>, %arg3: memref<2000x1xf32, #tpu.memory_space<vmem>>, %arg4: memref<128x128xf32, #tpu.memory_space<vmem>>, %arg5: memref<1x128xf32, #tpu.memory_space<vmem>>, %arg6: memref<2000x128xf32, #tpu.memory_space<vmem>>) attributes {dimension_semantics = [#tpu.dimension_semantics<arbitrary>], iteration_bounds = array<i64: 5>, scalar_prefetch = 0 : i64, scratch_operands = 0 : i64, tpu.core_type = #tpu.core_type<tc>, window_params = [{transform_indices = @transform_0, window_bounds = array<i64: 2, 2000, 128>}, {transform_indices = @transform_1, window_bounds = array<i64: 2000, 128>}, {transform_indices = @transform_2, window_bounds = array<i64: 2000, 1>}, {pipeline_mode = #tpu.pipeline_mode<synchronous>, transform_indices = @transform_3, window_bounds = array<i64: 128, 128>}, {pipeline_mode = #tpu.pipeline_mode<synchronous>, transform_indices = @transform_4, window_bounds = array<i64: 1, 128>}, {transform_indices = @transform_5, window_bounds = array<i64: 2000, 128>}]} {
    %get3A = arith.constant 0 : index
    %get3A_0 = arith.constant 0 : index
    %get3A_1 = arith.constant 0 : index
    %get3A_2 = vector.load %arg1[%get3A, %get3A_0, %get3A_1] : memref<2x2000x128xf32, #tpu.memory_space<vmem>>, vector<1x2000x128xf32>
    %get3A_3 = vector.shape_cast %get3A_2 : vector<1x2000x128xf32> to vector<2000x128xf32>
    %get3A_4 = arith.constant 1 : index
    %get3A_5 = arith.constant 0 : index
    %get3A_6 = arith.constant 0 : index
    %get3A_7 = vector.load %arg1[%get3A_4, %get3A_5, %get3A_6] : memref<2x2000x128xf32, #tpu.memory_space<vmem>>, vector<1x2000x128xf32>
    %get3A_8 = vector.shape_cast %get3A_7 : vector<1x2000x128xf32> to vector<2000x128xf32>
    %add3A = arith.addf %get3A_3, %get3A_8 : vector<2000x128xf32>
    %get3A_9 = arith.constant 0 : index
    %get3A_10 = arith.constant 0 : index
    %get3A_11 = vector.load %arg2[%get3A_9, %get3A_10] : memref<2000x128xf32, #tpu.memory_space<vmem>>, vector<2000x128xf32>
    %add3A_12 = arith.addf %add3A, %get3A_11 : vector<2000x128xf32>
    %get3A_13 = arith.constant 0 : index
    %get3A_14 = arith.constant 0 : index
    %get3A_15 = vector.load %arg3[%get3A_13, %get3A_14] : memref<2000x1xf32, #tpu.memory_space<vmem>>, vector<2000x1xf32>
    %mul3A = vector.broadcast %get3A_15 : vector<2000x1xf32> to vector<2000x128xf32>
    %mul3A_16 = arith.mulf %add3A_12, %mul3A : vector<2000x128xf32>
    %get3A_17 = arith.constant 0 : index
    %get3A_18 = arith.constant 0 : index
    %get3A_19 = vector.load %arg4[%get3A_17, %get3A_18] : memref<128x128xf32, #tpu.memory_space<vmem>>, vector<128x128xf32>
    %dot_general3A = arith.constant dense<0.000000e+00> : vector<2000x128xf32>
    %dot_general3A_20 = tpu.matmul %mul3A_16, %get3A_19, %dot_general3A {dimension_numbers = #tpu.dot_dimension_numbers<[1], [0], [0], [1], [0, 0, 1, 1], [], []>, transpose_lhs_hint = false} : vector<2000x128xf32>, vector<128x128xf32>, vector<2000x128xf32> -> vector<2000x128xf32>
    %get3A_21 = arith.constant 0 : index
    %get3A_22 = arith.constant 0 : index
    %get3A_23 = vector.load %arg5[%get3A_21, %get3A_22] : memref<1x128xf32, #tpu.memory_space<vmem>>, vector<1x128xf32>
    %add3A_24 = vector.broadcast %get3A_23 : vector<1x128xf32> to vector<2000x128xf32>
    %add3A_25 = arith.addf %dot_general3A_20, %add3A_24 : vector<2000x128xf32>
    %swap3A = arith.constant 0 : index
    %swap3A_26 = arith.constant 0 : index
    %swap3A_27 = vector.load %arg6[%swap3A, %swap3A_26] : memref<2000x128xf32, #tpu.memory_space<vmem>>, vector<2000x128xf32>
    tpu.vector_store %arg6[%swap3A, %swap3A_26], %add3A_25 {strides = array<i32>} : memref<2000x128xf32, #tpu.memory_space<vmem>>, vector<2000x128xf32>,
    return
  }
  func.func @transform_0(%arg0: i32) -> (i32, i32, i32) {
    %c0_i32 = arith.constant 0 : i32
    %c0_i32_0 = arith.constant 0 : i32
    %c0_i32_1 = arith.constant 0 : i32
    return %c0_i32, %arg0, %c0_i32_0 : i32, i32, i32
  }
  func.func @transform_1(%arg0: i32) -> (i32, i32) {
    %c0_i32 = arith.constant 0 : i32
    %c0_i32_0 = arith.constant 0 : i32
    return %arg0, %c0_i32 : i32, i32
  }
  func.func @transform_2(%arg0: i32) -> (i32, i32) {
    %c0_i32 = arith.constant 0 : i32
    %c0_i32_0 = arith.constant 0 : i32
    return %arg0, %c0_i32 : i32, i32
  }
  func.func @transform_3(%arg0: i32) -> (i32, i32) {
    %c0_i32 = arith.constant 0 : i32
    %c0_i32_0 = arith.constant 0 : i32
    %c0_i32_1 = arith.constant 0 : i32
    return %c0_i32, %c0_i32_0 : i32, i32
  }
  func.func @transform_4(%arg0: i32) -> (i32, i32) {
    %c0_i32 = arith.constant 0 : i32
    %c0_i32_0 = arith.constant 0 : i32
    %c0_i32_1 = arith.constant 0 : i32
    return %c0_i32, %c0_i32_0 : i32, i32
  }
  func.func @transform_5(%arg0: i32) -> (i32, i32) {
    %c0_i32 = arith.constant 0 : i32
    %c0_i32_0 = arith.constant 0 : i32
    return %arg0, %c0_i32 : i32, i32
  }
}

</mosaic_0001>

<sc_bundles>
// kernel: kernel.11.cloned.1.call-start
scs
__scs_entry_jumppad:
0x0: {  	(pc) =	sbr.rel $0x88, $3  }
0x1: {  	(tag) =	ssettag $0x0;
	lr =	simm.s32 $0x1  }
0x2: {  	[smem:$0x3F9D] =	sst lr;
	_ =	strace $0xD0000000  }
0x3: {  	_ = 	snop  }
0x4: {  	_ = 	snop  }
0x5: {  	_ = 	snop  }
0x6: {  	_ = 	snop  }
0x7: {  	_ = 	snop  }
__scs_overlays_trampoline_lowered:
0x8: {  	[smem:$0x3FAC] =	sst s0  }
0x9: {  	[smem:$0x3FAD] =	sst s1  }
0xa: {  	[smem:$0x3FAE] =	sst s2  }
0xb: {  	[smem:$0x3FAF] =	sst s3  }
0xc: {  	[smem:$0x3FB0] =	sst s4  }
0xd: {  	[smem:$0x3FB1] =	sst s5  }
0xe: {  	[smem:$0x3FB2] =	sst s6  }
0xf: {  	[smem:$0x3FB3] =	sst s7  }
0x10: {  	[smem:$0x3FB4] =	sst s8  }
0x11: {  	[smem:$0x3FB5] =	sst s9;
	s0 =	simm.s32 @!p0 $0x0  }
0x12: {  	s1 =	sld [smem:$0x3F9B];
	s0 =	simm.s32 @p0 $0x1  }
0x13: {  	[smem:$0x3FB6] =	sst s0;
	s0 =	simm.s32 @!p1 $0x0  }
0x14: {  	s2 =	sld [smem:$0x3F9A];
	s0 =	simm.s32 @p1 $0x1  }
0x15: {  	[smem:$0x3FB7] =	sst s0;
	s0 =	simm.s32 @!p2 $0x0  }
0x16: {  	s3 =	sld [smem:$0x3FDB];
	s0 =	simm.s32 @p2 $0x1  }
0x17: {  	s4 =	simm.s32 $0x1BF5;
	[smem:$0x3FB9] =	sst s0  }
0x18: {  	s0 =	sld [smem:$0x3F9C];
	_ =	swait.ge [sflag:s4], $0x0  }
0x19: {  	s7 =	sld [smem:$0x3F9D]  }
0x1a: {  	s8 =	sadd.s32 $0xFFFFE003, lr  }
0x1b: {  	s9 =	sadd.s32 $0xFFFFFEF7, lr;
	s5 =	simm.s32 $0xFFFFFFFF;
	p2 =	slt.u32 s8, $0xFFFFF086  }
0x1c: {  	p1 =	slt.u32 s9, $0xF7A;
	s5 =	simm.s32 @!p2 $0x0  }
0x1d: {  	s5 =	simm.s32 @p1 $0x1;
	p0 =	seq.s32 s7, s2  }
0x1e: {  	s7 =	smul.u32 @!p0 $0xF7A, s2;
	p2 =	seq.s32 @!p0 s5, $0x0  }
0x1f: {  	s9 =	smul.u32 $0xF7A, s1;
	s8 =	simm.s32 @!p0 $0x1BF5;
	p2 =	por !p2, p0  }
0x20: {  	[sflag:s8] =	ssyncset.s32 @!p0 $0xFFFFF086;
	s6 =	sadd.s32 @!p0 s3, s7;
	s7 =	simm.s32 @!p0 $0x108  }
0x21: {  	s3 =	sadd.s32 s3, s9;
	s6 =	sadd.s32 @!p0 $0x88, s6;
	s7 =	simm.s32 @p2 $0x1082  }
0x22: {  	[simem:s7], [sflag:s8] =	dma.local @!p0 [hbm:s6], $0xF7A  }
0x23: {  	s9 =	sor.u32 $0xD0000000, s2;
	s6 =	simm.s32 $0x108;
	_ =	swait.ge @!p0 [sflag:s8], $0x0  }
0x24: {  	s3 =	sadd.s32 $0x88, s3;
	s6 =	simm.s32 @!p1 $0x1082;
	[sflag:s4] =	ssyncset.s32 $0xFFFFF086  }
0x25: {  	[simem:s6], [sflag:s4] =	dma.local [hbm:s3], $0xF7A  }
0x26: {  	[smem:$0x3F9D] =	sst s1;
	(tag) =	ssettag s2;
	_ =	strace s9  }
0x27: {  	s1 =	sld [smem:$0x3FAD]  }
0x28: {  	s2 =	sld [smem:$0x3FAE]  }
0x29: {  	s4 =	sld [smem:$0x3FB0]  }
0x2a: {  	p0 =	seq.s32 s5, $0x0;
	s5 =	sld [smem:$0x3FB1]  }
0x2b: {  	s6 =	sld [smem:$0x3FB2]  }
0x2c: {  	s7 =	sld [smem:$0x3FB3]  }
0x2d: {  	s3 =	simm.s32 $0x108;
	s8 =	sld [smem:$0x3FB4]  }
0x2e: {  	s3 =	simm.s32 @!p0 $0x1082;
	s9 =	sld [smem:$0x3FB5]  }
0x2f: {  	lr =	sadd.s32 s0, s3;
	s0 =	sld [smem:$0x3FAC]  }
0x30: {  	s3 =	sld [smem:$0x3FAF]  }
0x31: {  	[smem:$0x3FB8] =	sst s10  }
0x32: {  	s10 =	sld [smem:$0x3FB6];
	_ =	sdelay $0x3  }
0x33: {  	p0 =	seq.s32 s10, $0x1;
	s10 =	sld [smem:$0x3FB8];
	_ =	sdelay $0x3  }
0x34: {  	[smem:$0x3FB8] =	sst s10  }
0x35: {  	s10 =	sld [smem:$0x3FB7];
	_ =	sdelay $0x3  }
0x36: {  	p1 =	seq.s32 s10, $0x1;
	s10 =	sld [smem:$0x3FB8];
	_ =	sdelay $0x3  }
0x37: {  	[smem:$0x3FB8] =	sst s10  }
0x38: {  	s10 =	sld [smem:$0x3FB9]  }
0x39: {  	_ = 	snop;
	(pc) =	sbr.ind lr, $3  }
0x3a: {  	_ = 	snop  }
0x3b: {  	_ = 	snop  }
0x3c: {  	p2 =	seq.s32 s10, $0x1;
	s10 =	sld [smem:$0x3FB8]  }
0x3d: {  	_ =	shalt  }
0x3e: {  	_ =	shalt  }
0x3f: {  	_ =	shalt  }
0x40: {  	_ =	shalt  }
0x41: {  	_ =	shalt  }
0x42: {  	_ =	shalt  }
0x43: {  	_ =	shalt  }
0x44: {  	_ =	shalt  }
0x45: {  	_ =	shalt  }
0x46: {  	_ =	shalt  }
0x47: {  	_ =	shalt  }
0x48: {  	_ =	shalt  }
0x49: {  	_ =	shalt  }
0x4a: {  	_ =	shalt  }
0x4b: {  	_ =	shalt  }
0x4c: {  	_ =	shalt  }
0x4d: {  	_ =	shalt  }
0x4e: {  	_ =	shalt  }
0x4f: {  	_ =	shalt  }
0x50: {  	_ =	shalt  }
0x51: {  	_ =	shalt  }
0x52: {  	_ =	shalt  }
0x53: {  	_ =	shalt  }
0x54: {  	_ =	shalt  }
0x55: {  	_ =	shalt  }
0x56: {  	_ =	shalt  }
0x57: {  	_ =	shalt  }
0x58: {  	_ =	shalt  }
0x59: {  	_ =	shalt  }
0x5a: {  	_ =	shalt  }
0x5b: {  	_ =	shalt  }
0x5c: {  	_ =	shalt  }
0x5d: {  	_ =	shalt  }
0x5e: {  	_ =	shalt  }
0x5f: {  	_ =	shalt  }
0x60: {  	_ =	shalt  }
0x61: {  	_ =	shalt  }
0x62: {  	_ =	shalt  }
0x63: {  	_ =	shalt  }
0x64: {  	_ =	shalt  }
0x65: {  	_ =	shalt  }
0x66: {  	_ =	shalt  }
0x67: {  	_ =	shalt  }
0x68: {  	_ =	shalt  }
0x69: {  	_ =	shalt  }
0x6a: {  	_ =	shalt  }
0x6b: {  	_ =	shalt  }
0x6c: {  	_ =	shalt  }
0x6d: {  	_ =	shalt  }
0x6e: {  	_ =	shalt  }
0x6f: {  	_ =	shalt  }
0x70: {  	_ =	shalt  }
0x71: {  	_ =	shalt  }
0x72: {  	_ =	shalt  }
0x73: {  	_ =	shalt  }
0x74: {  	_ =	shalt  }
0x75: {  	_ =	shalt  }
0x76: {  	_ =	shalt  }
0x77: {  	_ =	shalt  }
0x78: {  	_ =	shalt  }
0x79: {  	_ =	shalt  }
0x7a: {  	_ =	shalt  }
0x7b: {  	_ =	shalt  }
0x7c: {  	_ =	shalt  }
0x7d: {  	_ =	shalt  }
0x7e: {  	_ =	shalt  }
0x7f: {  	_ =	shalt  }
0x80: {  	_ =	shalt  }
0x81: {  	_ =	shalt  }
0x82: {  	_ =	shalt  }
0x83: {  	_ =	shalt  }
0x84: {  	_ =	shalt  }
0x85: {  	_ =	shalt  }
0x86: {  	_ =	shalt  }
0x87: {  	_ =	shalt  }
.Lfunc_end0:
.L_simem_size_0:
called_computation.1_lowered:
.L_overlay_start_0:
0x88: {  	s2 =	sld [smem:$0x3FD9]  }
0x89: {  	s3 =	sld [smem:$0x3FFE];
	_ =	sdelay $0x1  }
0x8a: {  	s1 =	srdreg.scid  }
0x8b: {  	s0 =	sand.u32 $0x1, s1  }
0x8c: {  	s17 =	sshll.u32 s0, $0xA;
	s2 =	sadd.s32 s3, s2  }
0x8d: {  	s2 =	sadd.s32 s2, s17  }
0x8e: {  	[smem:$0x3FC4] =	sst s2  }
0x8f: {  	_ = 	snop  }
0x90: {  	s2 =	sld [smem:$0x3FD0];
	(tm) =	ssettm $0x1  }
0x91: {  	s18 =	sld [smem:$0x3FFB];
	_ =	sdelay $0x3  }
0x92: {  	_ =	strace s18  }
0x93: {  	s3 =	sld [smem:$0x3FFC];
	_ =	sdelay $0x3  }
0x94: {  	_ =	strace s3  }
0x95: {  	s3 =	sld [smem:$0x3FFD];
	_ =	sdelay $0x3  }
0x96: {  	_ =	strace s3  }
0x97: {  	_ =	strace $0x8FFFFFFF  }
0x98: {  	s19 =	sld [smem:$0x3FDB];
	_ =	sdelay $0x1  }
0x99: {  	s4 =	simm.s32 $_scs_section_size  }
0x9a: {  	s5 =	simm.s32 $_size__tile_overlayer_lowered;
	s6 =	simm.s32 $_tile_overlayer_lowered  }
0x9b: {  	s22 =	simm.s32 $0x1BFF;
	s21 =	sshll.u32 s6, $0x1;
	s3 =	sadd.s32 s4, s19  }
0x9c: {  	s7 =	simm.s32 $0x0;
	s20 =	sshll.u32 s5, $0x1;
	s5 =	sadd.s32 s21, s3  }
0x9d: {  	[timem:s7], [sflag:s22] =	dma.local [hbm:s5], s20  }
0x9e: {  	_ =	swait.ge [sflag:s22], s20  }
0x9f: {  	s4 =	ssub.s32 $0x0, s20;
	[sflag:s22] =	ssyncset.done $0x0  }
0xa0: {  	[sflag:s22] =	ssyncadd.s32 s4;
	_ =	sdelay $0x1  }
0xa1: {  	s23 =	simm.s32 $0x1B8B  }
0xa2: {  	_ =	swait.ge [sflag:s23], $0x1  }
0xa3: {  	[sflag:s23] =	ssyncset.done $0x0  }
0xa4: {  	s25 =	simm.s32 $0x1B8E;
	s24 =	sld [smem:$0x3FFE];
	[sflag:s23] =	ssyncadd.s32 $0xFFFFFFFF  }
0xa5: {  	s26 =	simm.s32 $execute0_lowered;
	[smem:$0x3FD2] =	sst s25  }
0xa6: {  	s5 =	sshll.u32 s26, $0x1;
	_ =	strace $0x80000049;
	[dreg:$0x1] =	wrdreg $0xFFFFFFFF  }
0xa7: {  	s28 =	simm.s32 $_size_execute0_lowered;
	s3 =	sadd.s32 s3, s5;
	[dreg:$0x0] =	wrdreg $0x0  }
0xa8: {  	s5 =	sshll.u32 s28, $0x1;
	[dreg:$0x2] =	wrdreg s3  }
0xa9: {  	[dreg:$0x3] =	wrdreg s5  }
0xaa: {  	[dreg:$0x4] =	wrdreg $0xC0  }
0xab: {  	_ =	task [dreg:s7], $0x5FFFF  }
0xac: {  	[dreg:$0x1] =	wrdreg $0xFFFFFFFF  }
0xad: {  	[dreg:$0x0] =	wrdreg $0x60  }
0xae: {  	[dreg:$0x2] =	wrdreg s24  }
0xaf: {  	[dreg:$0x3] =	wrdreg s2  }
0xb0: {  	[dreg:$0x4] =	wrdreg $0x82000  }
0xb1: {  	[dreg:$0x5] =	wrdreg $0x9  }
0xb2: {  	_ =	task.clear_ibuf [dreg:s7], $0x6FFFF;
	_ =	strace $0x90000049  }
0xb3: {  	s29 =	simm.s32 $0x9;
	_ =	strace $0x8000004B  }
0xb4: {  	_ =	swait.ge [sflag:s29], $0x1  }
0xb5: {  	[sflag:s29] =	ssyncadd.s32 $0xFFFFFFFF  }
0xb6: {  	_ =	strace $0x9000004B  }
0xb7: {  	_ =	sfence  }
0xb8: {  	s30 =	sld [smem:$0x0];
	_ =	sdelay $0x2  }
0xb9: {  	s31 =	sshll.u32 s1, $0xD;
	s1 =	sshrl.u32 s1, $0x2  }
0xba: {  	s3 =	sand.u32 $0x4000, s31;
	s1 =	sadd.s32 s1, s30  }
0xbb: {  	s0 =	sor.u32 s3, s0;
	s1 =	sshll.u32 s1, $0x11  }
0xbc: {  	s0 =	sor.u32 s1, s0  }
0xbd: {  	s0 =	sadd.s32 $0x8F2B, s0  }
0xbe: {  	[sflag:s0] =	ssyncadd.remote.s32 $0x1  }
0xbf: {  	_ =	sfence.sel $0xFFFF  }
0xc0: {  	[dreg:$0x0] =	wrdreg $0xFFFFFFFF;
	(pc) =	sbr.abs _section_cstart, $3  }
0xc1: {  	[dreg:$0x1] =	wrdreg $0xFFFFFFFF  }
0xc2: {  	_ =	task.clear_ibuf [dreg:s7], $0x2FFFF;
	_ =	strace $0x9FFFFFFF  }
0xc3: {  	(tm) =	ssettm $0x7FFFFFFF  }
tec
execute0_lowered:
.L_overlay_start_1:
0x0: {  	(tag) =	ssettag $0x1  }
0x1: {  	s0 =	rddreg [dreg:$0x0]  }
0x2: {  	s2 =	rddreg [dreg:$0x1]  }
0x3: {  	s1 =	rddreg [dreg:$0x2]  }
0x4: {  	s3 =	simm.s32 $0x0;
	s4 =	srdreg.scid;
	s12 =	stileid.u32  }
0x5: {  	s28 =	simm.s32 $0x6;
	s29 =	simm.s32 $0x4000;
	s7 =	smul.u32 $0x14000, s12  }
0x6: {  	s30 =	simm.s32 $0x1;
	s31 =	simm.s32 $0x2;
	s20 =	smul.u32 $0x50000, s12  }
0x7: {  	[smem:$0x7FF] =	sst s3;
	s6 =	sand.u32 $0x1, s4;
	s25 =	smul.u32 $0x2800, s12  }
0x8: {  	s4 =	sadd.s32 $0x16A00, s0;
	s8 =	sadd.s32 $0xCA00, s0;
	s5 =	smul.u32 $0x140000, s6  }
0x9: {  	_ =	strace $0x8000004A;
	s9 =	sshll.u32 s6, $0x4;
	s10 =	ssub.s32 $0x2, s6  }
0xa: {  	s6 =	smul.u32 $0x28000, s6;
	s19 =	sor.u32 s12, s9;
	s21 =	sshrl.u32 s10, $0x1  }
0xb: {  	s9 =	sshrl.u32 s20, $0x2;
	s20 =	simm.s32 $0x7;
	s5 =	sadd.s32 s7, s5  }
0xc: {  	s7 =	smul.u32 $0x2800, s19;
	s11 =	ssub.s32 s10, s21;
	s26 =	sadd.s32 s25, s6  }
0xd: {  	s21 =	simm.s32 $0x8000;
	s25 =	simm.s32 $0x8080;
	s5 =	sshrl.u32 s5, $0x3  }
0xe: {  	s11 =	smax.u32 s11, $0x1;
	s6 =	sor.u32 $0x180, s26;
	s0 =	sadd.s32 s5, s0  }
0xf: {  	s5 =	sadd.s32 s9, s1;
	s7 =	sshrl.u32 s7, $0x3;
	s6 =	sshrl.u32 s6, $0x3  }
0x10: {  	s22 =	sadd.s32 s2, s7;
	s23 =	sor.u32 $0x10, s7;
	s7 =	sadd.s32 s8, s7  }
0x11: {  	s10 =	sadd.s32 $0x3EA00, s0;
	s12 =	sadd.s32 $0x4000, s5;
	s13 =	sadd.s32 $0x8000, s5  }
0x12: {  	s14 =	sadd.s32 $0xC000, s5;
	s0 =	sor.u32 $0x100, s26;
	s15 =	sadd.s32 $0x10000, s5  }
0x13: {  	s16 =	sadd.s32 s6, s8;
	s17 =	sadd.s32 s6, s2;
	[dreg:$0x4] =	wrdreg s22  }
0x14: {  	s26 =	simm.s32 $0x8180;
	s6 =	simm.s32 $0x0;
	[dreg:$0x5] =	wrdreg s7  }
0x15: {  	s24 =	sadd.s32 s2, s23;
	s9 =	sadd.s32 s8, s23;
	s0 =	sshrl.u32 s0, $0x3  }
0x16: {  	s22 =	simm.s32 $0x8100;
	s23 =	simm.s32 $0x5;
	[dreg:$0x6] =	wrdreg s24  }
0x17: {  	[dreg:$0x7] =	wrdreg s9;
	s18 =	sadd.s32 s0, s8;
	s19 =	sadd.s32 s0, s2  }
0x18: {  	v0 =	vimm.f32 $0.0e+00;
	s24 =	simm.s32 $0x80;
	s0 =	simm.s32 $0x3;
	s2 =	simm.s32 $0x4  }
.LBB2_1:
0x19: {  	s7 =	simm.s32 $0x0;
	s8 =	simm.s32 $0x200  }
.LBB2_2:
0x1a: {  	p0 =	sne.s32 s8, $0xFE00;
	[tilespmem:s7+$0x70] =	vst v0  }
0x1b: {  	[tilespmem:s7+$0x0] =	vst v0  }
0x1c: {  	[tilespmem:s7+$0x10] =	vst v0  }
.Ltmp0:
0x1d: {  	[tilespmem:s7+$0x20] =	vst v0;
	(pc) =	sbr.rel @p0 .LBB2_2-.Ltmp0, $4  }
0x1e: {  	[tilespmem:s7+$0x30] =	vst v0  }
0x1f: {  	[tilespmem:s7+$0x40] =	vst v0  }
0x20: {  	[tilespmem:s7+$0x50] =	vst v0  }
0x21: {  	[tilespmem:s7+$0x60] =	vst v0;
	s7 =	sshra.s32 s8, $0x2;
	s8 =	sadd.s32 $0x200, s8  }
0x22: {  	[tilespmem:s7+$0x70] =	vst v0  }
0x23: {  	[tilespmem:s7+$0x0] =	vst v0  }
0x24: {  	[tilespmem:s7+$0x10] =	vst v0  }
0x25: {  	[tilespmem:s7+$0x20] =	vst v0  }
0x26: {  	[tilespmem:s7+$0x30] =	vst v0  }
0x27: {  	[tilespmem:s7+$0x40] =	vst v0  }
0x28: {  	[tilespmem:s7+$0x50] =	vst v0  }
0x29: {  	[tilespmem:s7+$0x60] =	vst v0;
	s7 =	simm.s32 $0x0  }
0x2a: {  	[spmem:s5] =	stream.linear.scatter [tilespmem:s7], [sflag:$0x7], $0x4000, $0x38;
	[tilespmem:$0x1C200] =	vst v63  }
0x2b: {  	_ =	swait.ge [sflag:s20], $0x4000  }
0x2c: {  	[sflag:s20] =	ssyncset.done $0x0  }
0x2d: {  	[sflag:s20] =	ssyncadd.s32 $0xFFFFC000  }
0x2e: {  	[spmem:s12] =	stream.linear.scatter [tilespmem:s7], [sflag:$0x7], $0x4000, $0x38;
	[tilespmem:$0x1C200] =	vst v63  }
0x2f: {  	_ =	swait.ge [sflag:s20], $0x4000  }
0x30: {  	[sflag:s20] =	ssyncset.done $0x0  }
0x31: {  	[sflag:s20] =	ssyncadd.s32 $0xFFFFC000  }
0x32: {  	[spmem:s13] =	stream.linear.scatter [tilespmem:s7], [sflag:$0x7], $0x4000, $0x38;
	[tilespmem:$0x1C200] =	vst v63  }
0x33: {  	_ =	swait.ge [sflag:s20], $0x4000  }
0x34: {  	[sflag:s20] =	ssyncset.done $0x0  }
0x35: {  	[sflag:s20] =	ssyncadd.s32 $0xFFFFC000  }
0x36: {  	[spmem:s14] =	stream.linear.scatter [tilespmem:s7], [sflag:$0x7], $0x4000, $0x38;
	[tilespmem:$0x1C200] =	vst v63  }
0x37: {  	_ =	swait.ge [sflag:s20], $0x4000  }
0x38: {  	[sflag:s20] =	ssyncset.done $0x0  }
0x39: {  	[sflag:s20] =	ssyncadd.s32 $0xFFFFC000  }
0x3a: {  	[spmem:s15] =	stream.linear.scatter [tilespmem:s7], [sflag:$0x7], $0x4000, $0x38;
	[tilespmem:$0x1C200] =	vst v63  }
0x3b: {  	_ =	swait.ge [sflag:s20], $0x4000  }
0x3c: {  	[sflag:s20] =	ssyncset.done $0x0  }
0x3d: {  	[sflag:s20] =	ssyncadd.s32 $0xFFFFC000  }
0x3e: {  	[bflag:$0x0] =	sbarrier.arrive $0xFFFF  }
0x3f: {  	s8 =	rddreg [dreg:$0x4]  }
0x40: {  	[tilespmem:s21], [sflag:$0x5] =	stream.linear.gather [hbm4b:s8+s7], $0x80, $0x38;
	[tilespmem:$0x1C200] =	vst v63  }
0x41: {  	s9 =	rddreg [dreg:$0x5]  }
0x42: {  	[tilespmem:s22], [sflag:$0x5] =	stream.linear.gather [hbm4b:s9+s7], $0x80, $0x38;
	[tilespmem:$0x1C200] =	vst v63  }
0x43: {  	_ =	swait.ge [sflag:s23], $0x80  }
0x44: {  	[sflag:s23] =	ssyncset.done $0x0  }
0x45: {  	[sflag:s23] =	ssyncadd.s32 $0xFFFFFF80  }
0x46: {  	_ =	swait.ge [sflag:s23], $0x80  }
0x47: {  	[sflag:s23] =	ssyncset.done $0x0  }
0x48: {  	[sflag:s23] =	ssyncadd.s32 $0xFFFFFF80  }
0x49: {  	[tilespmem:s7], [sflag:$0x1] =	stream.indirect.gather [hbm4b:s4+s24], $0x80, s21, s24, $0xb8;
	[tilespmem:$0x1C200] =	vst v63  }
0x4a: {  	s9 =	rddreg [dreg:$0x6]  }
0x4b: {  	[tilespmem:s25], [sflag:$0x6] =	stream.linear.gather [hbm4b:s9+s7], $0x80, $0x38;
	[tilespmem:$0x1C200] =	vst v63  }
0x4c: {  	s9 =	rddreg [dreg:$0x7]  }
0x4d: {  	[tilespmem:s26], [sflag:$0x6] =	stream.linear.gather [hbm4b:s9+s7], $0x80, $0x38;
	[tilespmem:$0x1C200] =	vst v63  }
0x4e: {  	_ =	swait.ge [sflag:s28], $0x80  }
0x4f: {  	[sflag:s28] =	ssyncset.done $0x0  }
0x50: {  	[sflag:s28] =	ssyncadd.s32 $0xFFFFFF80  }
0x51: {  	_ =	swait.ge [sflag:s28], $0x80  }
0x52: {  	[sflag:s28] =	ssyncset.done $0x0  }
0x53: {  	[sflag:s28] =	ssyncadd.s32 $0xFFFFFF80  }
0x54: {  	[tilespmem:s29], [sflag:$0x2] =	stream.indirect.gather [hbm4b:s4+s24], $0x80, s25, s24, $0xb8;
	[tilespmem:$0x1C200] =	vst v63  }
0x55: {  	_ =	swait.ge [sflag:s30], $0x4000  }
0x56: {  	[sflag:s30] =	ssyncset.done $0x0  }
0x57: {  	[sflag:s30] =	ssyncadd.s32 $0xFFFFC000  }
0x58: {  	[spmem:s1] =	stream.indirect.scatter.add.f32 [tilespmem:s3], [sflag:$0x3], $0x80, s22, s24, $0xb8;
	[tilespmem:$0x1C200] =	vst v63  }
0x59: {  	_ =	swait.ge [sflag:s31], $0x4000  }
0x5a: {  	[sflag:s31] =	ssyncset.done $0x0  }
0x5b: {  	[sflag:s31] =	ssyncadd.s32 $0xFFFFC000  }
0x5c: {  	[spmem:s1] =	stream.indirect.scatter.add.f32 [tilespmem:s29], [sflag:$0x4], $0x80, s26, s24, $0xb8;
	[tilespmem:$0x1C200] =	vst v63  }
0x5d: {  	_ =	swait.ge [sflag:s0], $0x4000  }
0x5e: {  	[sflag:s0] =	ssyncset.done $0x0  }
0x5f: {  	s8 =	sadd.s32 $0x0, s19;
	[sflag:s0] =	ssyncadd.s32 $0xFFFFC000  }
0x60: {  	[tilespmem:s21], [sflag:$0x5] =	stream.linear.gather [hbm4b:s8+s3], $0x80, $0x38;
	[tilespmem:$0x1C200] =	vst v63  }
0x61: {  	s9 =	sadd.s32 $0x0, s18  }
0x62: {  	[tilespmem:s22], [sflag:$0x5] =	stream.linear.gather [hbm4b:s9+s3], $0x80, $0x38;
	[tilespmem:$0x1C200] =	vst v63  }
0x63: {  	_ =	swait.ge [sflag:s23], $0x80  }
0x64: {  	[sflag:s23] =	ssyncset.done $0x0  }
0x65: {  	[sflag:s23] =	ssyncadd.s32 $0xFFFFFF80  }
0x66: {  	_ =	swait.ge [sflag:s23], $0x80  }
0x67: {  	[sflag:s23] =	ssyncset.done $0x0  }
0x68: {  	[sflag:s23] =	ssyncadd.s32 $0xFFFFFF80  }
0x69: {  	[tilespmem:s3], [sflag:$0x1] =	stream.indirect.gather [hbm4b:s4+s24], $0x80, s21, s24, $0xb8;
	[tilespmem:$0x1C200] =	vst v63  }
0x6a: {  	_ =	swait.ge [sflag:s2], $0x4000  }
0x6b: {  	[sflag:s2] =	ssyncset.done $0x0  }
0x6c: {  	s8 =	sadd.s32 $0x0, s17;
	[sflag:s2] =	ssyncadd.s32 $0xFFFFC000  }
0x6d: {  	[tilespmem:s25], [sflag:$0x6] =	stream.linear.gather [hbm4b:s8+s3], $0x80, $0x38;
	[tilespmem:$0x1C200] =	vst v63  }
0x6e: {  	s9 =	sadd.s32 $0x0, s16  }
0x6f: {  	[tilespmem:s26], [sflag:$0x6] =	stream.linear.gather [hbm4b:s9+s3], $0x80, $0x38;
	[tilespmem:$0x1C200] =	vst v63  }
0x70: {  	_ =	swait.ge [sflag:s28], $0x80  }
0x71: {  	[sflag:s28] =	ssyncset.done $0x0  }
0x72: {  	[sflag:s28] =	ssyncadd.s32 $0xFFFFFF80  }
0x73: {  	_ =	swait.ge [sflag:s28], $0x80  }
0x74: {  	[sflag:s28] =	ssyncset.done $0x0  }
0x75: {  	s7 =	simm.s32 $0x20;
	[sflag:s28] =	ssyncadd.s32 $0xFFFFFF80  }
.LBB2_4:
0x76: {  	[tilespmem:s29], [sflag:$0x2] =	stream.indirect.gather [hbm4b:s4+s24], $0x80, s25, s24, $0xb8;
	[tilespmem:$0x1C200] =	vst v63  }
0x77: {  	s8 =	smov.u32 s7  }
0x78: {  	p0 =	sne.s32 s7, $0x4C0;
	s7 =	sadd.s32 $0x20, s7;
	_ =	swait.ge [sflag:s30], $0x4000  }
0x79: {  	[sflag:s30] =	ssyncset.done $0x0  }
0x7a: {  	[sflag:s30] =	ssyncadd.s32 $0xFFFFC000  }
0x7b: {  	[spmem:s1] =	stream.indirect.scatter.add.f32 [tilespmem:s3], [sflag:$0x3], $0x80, s22, s24, $0xb8;
	[tilespmem:$0x1C200] =	vst v63  }
0x7c: {  	_ =	swait.ge [sflag:s31], $0x4000  }
0x7d: {  	[sflag:s31] =	ssyncset.done $0x0  }
0x7e: {  	[sflag:s31] =	ssyncadd.s32 $0xFFFFC000  }
0x7f: {  	[spmem:s1] =	stream.indirect.scatter.add.f32 [tilespmem:s29], [sflag:$0x4], $0x80, s26, s24, $0xb8;
	[tilespmem:$0x1C200] =	vst v63  }
0x80: {  	_ =	swait.ge [sflag:s0], $0x4000  }
0x81: {  	[sflag:s0] =	ssyncset.done $0x0  }
0x82: {  	s9 =	sadd.s32 s8, s19;
	[sflag:s0] =	ssyncadd.s32 $0xFFFFC000  }
0x83: {  	[tilespmem:s21], [sflag:$0x5] =	stream.linear.gather [hbm4b:s9+s3], $0x80, $0x38;
	[tilespmem:$0x1C200] =	vst v63  }
0x84: {  	s9 =	sadd.s32 s8, s18  }
0x85: {  	[tilespmem:s22], [sflag:$0x5] =	stream.linear.gather [hbm4b:s9+s3], $0x80, $0x38;
	[tilespmem:$0x1C200] =	vst v63  }
0x86: {  	_ =	swait.ge [sflag:s23], $0x80  }
0x87: {  	[sflag:s23] =	ssyncset.done $0x0  }
0x88: {  	[sflag:s23] =	ssyncadd.s32 $0xFFFFFF80  }
0x89: {  	_ =	swait.ge [sflag:s23], $0x80  }
0x8a: {  	[sflag:s23] =	ssyncset.done $0x0  }
0x8b: {  	[sflag:s23] =	ssyncadd.s32 $0xFFFFFF80  }
0x8c: {  	[tilespmem:s3], [sflag:$0x1] =	stream.indirect.gather [hbm4b:s4+s24], $0x80, s21, s24, $0xb8;
	[tilespmem:$0x1C200] =	vst v63  }
0x8d: {  	_ =	swait.ge [sflag:s2], $0x4000  }
0x8e: {  	[sflag:s2] =	ssyncset.done $0x0  }
0x8f: {  	s9 =	sadd.s32 s8, s17;
	[sflag:s2] =	ssyncadd.s32 $0xFFFFC000  }
0x90: {  	[tilespmem:s25], [sflag:$0x6] =	stream.linear.gather [hbm4b:s9+s3], $0x80, $0x38;
	[tilespmem:$0x1C200] =	vst v63  }
0x91: {  	s8 =	sadd.s32 s8, s16  }
0x92: {  	[tilespmem:s26], [sflag:$0x6] =	stream.linear.gather [hbm4b:s8+s3], $0x80, $0x38;
	[tilespmem:$0x1C200] =	vst v63  }
0x93: {  	_ =	swait.ge [sflag:s28], $0x80  }
.Ltmp1:
0x94: {  	[sflag:s28] =	ssyncset.done $0x0;
	(pc) =	sbr.rel @p0 .LBB2_4-.Ltmp1, $4  }
0x95: {  	[sflag:s28] =	ssyncadd.s32 $0xFFFFFF80  }
0x96: {  	_ =	swait.ge [sflag:s28], $0x80  }
0x97: {  	[sflag:s28] =	ssyncset.done $0x0  }
0x98: {  	[sflag:s28] =	ssyncadd.s32 $0xFFFFFF80  }
0x99: {  	[tilespmem:s29], [sflag:$0x2] =	stream.indirect.gather [hbm4b:s4+s24], $0x80, s25, s24, $0xb8;
	[tilespmem:$0x1C200] =	vst v63  }
0x9a: {  	_ =	swait.ge [sflag:s30], $0x4000  }
0x9b: {  	[sflag:s30] =	ssyncset.done $0x0  }
0x9c: {  	[sflag:s30] =	ssyncadd.s32 $0xFFFFC000  }
0x9d: {  	[spmem:s1] =	stream.indirect.scatter.add.f32 [tilespmem:s3], [sflag:$0x3], $0x80, s22, s24, $0xb8;
	[tilespmem:$0x1C200] =	vst v63  }
0x9e: {  	_ =	swait.ge [sflag:s31], $0x4000  }
0x9f: {  	[sflag:s31] =	ssyncset.done $0x0  }
0xa0: {  	[sflag:s31] =	ssyncadd.s32 $0xFFFFC000  }
0xa1: {  	[spmem:s1] =	stream.indirect.scatter.add.f32 [tilespmem:s29], [sflag:$0x4], $0x80, s26, s24, $0xb8;
	[tilespmem:$0x1C200] =	vst v63  }
0xa2: {  	_ =	swait.ge [sflag:s0], $0x4000  }
0xa3: {  	[sflag:s0] =	ssyncset.done $0x0  }
0xa4: {  	[sflag:s0] =	ssyncadd.s32 $0xFFFFC000  }
0xa5: {  	s7 =	stileid.u32;
	_ =	swait.ge [sflag:s2], $0x4000  }
0xa6: {  	s8 =	sshrl.u32 s5, $0x3;
	s6 =	sadd.s32 $0x1, s6;
	[sflag:s2] =	ssyncset.done $0x0  }
0xa7: {  	s7 =	sshll.u32 s7, $0x6;
	p0 =	sne.s32 s6, s11;
	[sflag:s2] =	ssyncadd.s32 $0xFFFFC000  }
.Ltmp2:
0xa8: {  	s7 =	sor.u32 $0x1C07, s7;
	[bflag:$0x0] =	sbarrier.arrive $0xFFFF;
	(pc) =	sbr.rel @p0 .LBB2_1-.Ltmp2, $4  }
0xa9: {  	[hbm:s10], [sflag:s7] =	dma.local [spmem:s8], $0x2800  }
0xaa: {  	_ =	swait.ge [sflag:s20], $0x2800  }
0xab: {  	[sflag:s20] =	ssyncset.done $0x0  }
0xac: {  	[sflag:s20] =	ssyncadd.s32 $0xFFFFD800  }
0xad: {  	_ =	sfence.sel $0x180000  }
0xae: {  	[bflag:$0x0] =	sbarrier.arrive $0xFFFF  }
0xaf: {  	_ =	strace $0x9000004A  }
0xb0: {  	s0 =	stileid.u32;
	[bflag:$0x2] =	sbarrier.arrive $0xFFFF  }
0xb1: {  	p0 =	sne.s32 s0, $0x0;
	s0 =	rddreg [dreg:$0x3]  }
0xb2: {  	s0 =	sadd.s32 @!p0 $0x100000, s0  }
0xb3: {  	[sflag:s0] =	ssyncadd.tile.s32 @!p0 $0x1;
	_ =	shalt  }
.Lfunc_end2:
_tile_overlayer_lowered:
.L_overlay_start_2:
0xb4: {  	(tag) =	ssettag $0x2  }
0xb5: {  	s0 =	rddreg [dreg:$0x0];
	s2 =	stileid.u32  }
0xb6: {  	s1 =	rddreg [dreg:$0x1];
	p0 =	sne.s32 s2, $0x0  }
0xb7: {  	s3 =	rddreg [dreg:$0x2];
	[bflag:$0x3] =	sbarrier.arrive $0xFFFF;
	s2 =	simm.s32 @!p0 $0x1C07  }
0xb8: {  	[timem:s3], [sflag:s2] =	dma.local @!p0 [hbm:s0], s1  }
0xb9: {  	s0 =	simm.s32 @!p0 $0x7  }
0xba: {  	_ =	swait.ge @!p0 [sflag:s0], s1  }
0xbb: {  	s1 =	ssub.s32 @!p0 $0x0, s1;
	[sflag:s0] =	ssyncset.done @!p0 $0x0  }
0xbc: {  	[sflag:s0] =	ssyncadd.s32 @!p0 s1  }
0xbd: {  	[bflag:$0x3] =	sbarrier.arrive $0xFFFF  }
0xbe: {  	_ =	shalt  }

// kernel: kernel.14.cloned.1.call-start
scs
__scs_entry_jumppad:
0x0: {  	(pc) =	sbr.rel $0x88, $3  }
0x1: {  	(tag) =	ssettag $0x0;
	lr =	simm.s32 $0x1  }
0x2: {  	[smem:$0x3F9D] =	sst lr;
	_ =	strace $0xD0000000  }
0x3: {  	_ = 	snop  }
0x4: {  	_ = 	snop  }
0x5: {  	_ = 	snop  }
0x6: {  	_ = 	snop  }
0x7: {  	_ = 	snop  }
__scs_overlays_trampoline_lowered:
0x8: {  	[smem:$0x3FAC] =	sst s0  }
0x9: {  	[smem:$0x3FAD] =	sst s1  }
0xa: {  	[smem:$0x3FAE] =	sst s2  }
0xb: {  	[smem:$0x3FAF] =	sst s3  }
0xc: {  	[smem:$0x3FB0] =	sst s4  }
0xd: {  	[smem:$0x3FB1] =	sst s5  }
0xe: {  	[smem:$0x3FB2] =	sst s6  }
0xf: {  	[smem:$0x3FB3] =	sst s7  }
0x10: {  	[smem:$0x3FB4] =	sst s8  }
0x11: {  	[smem:$0x3FB5] =	sst s9;
	s0 =	simm.s32 @!p0 $0x0  }
0x12: {  	s1 =	sld [smem:$0x3F9B];
	s0 =	simm.s32 @p0 $0x1  }
0x13: {  	[smem:$0x3FB6] =	sst s0;
	s0 =	simm.s32 @!p1 $0x0  }
0x14: {  	s2 =	sld [smem:$0x3F9A];
	s0 =	simm.s32 @p1 $0x1  }
0x15: {  	[smem:$0x3FB7] =	sst s0;
	s0 =	simm.s32 @!p2 $0x0  }
0x16: {  	s3 =	sld [smem:$0x3FDB];
	s0 =	simm.s32 @p2 $0x1  }
0x17: {  	s4 =	simm.s32 $0x1BF5;
	[smem:$0x3FB9] =	sst s0  }
0x18: {  	s0 =	sld [smem:$0x3F9C];
	_ =	swait.ge [sflag:s4], $0x0  }
0x19: {  	s7 =	sld [smem:$0x3F9D]  }
0x1a: {  	s8 =	sadd.s32 $0xFFFFE003, lr  }
0x1b: {  	s9 =	sadd.s32 $0xFFFFFEF7, lr;
	s5 =	simm.s32 $0xFFFFFFFF;
	p2 =	slt.u32 s8, $0xFFFFF086  }
0x1c: {  	p1 =	slt.u32 s9, $0xF7A;
	s5 =	simm.s32 @!p2 $0x0  }
0x1d: {  	s5 =	simm.s32 @p1 $0x1;
	p0 =	seq.s32 s7, s2  }
0x1e: {  	s7 =	smul.u32 @!p0 $0xF7A, s2;
	p2 =	seq.s32 @!p0 s5, $0x0  }
0x1f: {  	s9 =	smul.u32 $0xF7A, s1;
	s8 =	simm.s32 @!p0 $0x1BF5;
	p2 =	por !p2, p0  }
0x20: {  	[sflag:s8] =	ssyncset.s32 @!p0 $0xFFFFF086;
	s6 =	sadd.s32 @!p0 s3, s7;
	s7 =	simm.s32 @!p0 $0x108  }
0x21: {  	s3 =	sadd.s32 s3, s9;
	s6 =	sadd.s32 @!p0 $0x88, s6;
	s7 =	simm.s32 @p2 $0x1082  }
0x22: {  	[simem:s7], [sflag:s8] =	dma.local @!p0 [hbm:s6], $0xF7A  }
0x23: {  	s9 =	sor.u32 $0xD0000000, s2;
	s6 =	simm.s32 $0x108;
	_ =	swait.ge @!p0 [sflag:s8], $0x0  }
0x24: {  	s3 =	sadd.s32 $0x88, s3;
	s6 =	simm.s32 @!p1 $0x1082;
	[sflag:s4] =	ssyncset.s32 $0xFFFFF086  }
0x25: {  	[simem:s6], [sflag:s4] =	dma.local [hbm:s3], $0xF7A  }
0x26: {  	[smem:$0x3F9D] =	sst s1;
	(tag) =	ssettag s2;
	_ =	strace s9  }
0x27: {  	s1 =	sld [smem:$0x3FAD]  }
0x28: {  	s2 =	sld [smem:$0x3FAE]  }
0x29: {  	s4 =	sld [smem:$0x3FB0]  }
0x2a: {  	p0 =	seq.s32 s5, $0x0;
	s5 =	sld [smem:$0x3FB1]  }
0x2b: {  	s6 =	sld [smem:$0x3FB2]  }
0x2c: {  	s7 =	sld [smem:$0x3FB3]  }
0x2d: {  	s3 =	simm.s32 $0x108;
	s8 =	sld [smem:$0x3FB4]  }
0x2e: {  	s3 =	simm.s32 @!p0 $0x1082;
	s9 =	sld [smem:$0x3FB5]  }
0x2f: {  	lr =	sadd.s32 s0, s3;
	s0 =	sld [smem:$0x3FAC]  }
0x30: {  	s3 =	sld [smem:$0x3FAF]  }
0x31: {  	[smem:$0x3FB8] =	sst s10  }
0x32: {  	s10 =	sld [smem:$0x3FB6];
	_ =	sdelay $0x3  }
0x33: {  	p0 =	seq.s32 s10, $0x1;
	s10 =	sld [smem:$0x3FB8];
	_ =	sdelay $0x3  }
0x34: {  	[smem:$0x3FB8] =	sst s10  }
0x35: {  	s10 =	sld [smem:$0x3FB7];
	_ =	sdelay $0x3  }
0x36: {  	p1 =	seq.s32 s10, $0x1;
	s10 =	sld [smem:$0x3FB8];
	_ =	sdelay $0x3  }
0x37: {  	[smem:$0x3FB8] =	sst s10  }
0x38: {  	s10 =	sld [smem:$0x3FB9]  }
0x39: {  	_ = 	snop;
	(pc) =	sbr.ind lr, $3  }
0x3a: {  	_ = 	snop  }
0x3b: {  	_ = 	snop  }
0x3c: {  	p2 =	seq.s32 s10, $0x1;
	s10 =	sld [smem:$0x3FB8]  }
0x3d: {  	_ =	shalt  }
0x3e: {  	_ =	shalt  }
0x3f: {  	_ =	shalt  }
0x40: {  	_ =	shalt  }
0x41: {  	_ =	shalt  }
0x42: {  	_ =	shalt  }
0x43: {  	_ =	shalt  }
0x44: {  	_ =	shalt  }
0x45: {  	_ =	shalt  }
0x46: {  	_ =	shalt  }
0x47: {  	_ =	shalt  }
0x48: {  	_ =	shalt  }
0x49: {  	_ =	shalt  }
0x4a: {  	_ =	shalt  }
0x4b: {  	_ =	shalt  }
0x4c: {  	_ =	shalt  }
0x4d: {  	_ =	shalt  }
0x4e: {  	_ =	shalt  }
0x4f: {  	_ =	shalt  }
0x50: {  	_ =	shalt  }
0x51: {  	_ =	shalt  }
0x52: {  	_ =	shalt  }
0x53: {  	_ =	shalt  }
0x54: {  	_ =	shalt  }
0x55: {  	_ =	shalt  }
0x56: {  	_ =	shalt  }
0x57: {  	_ =	shalt  }
0x58: {  	_ =	shalt  }
0x59: {  	_ =	shalt  }
0x5a: {  	_ =	shalt  }
0x5b: {  	_ =	shalt  }
0x5c: {  	_ =	shalt  }
0x5d: {  	_ =	shalt  }
0x5e: {  	_ =	shalt  }
0x5f: {  	_ =	shalt  }
0x60: {  	_ =	shalt  }
0x61: {  	_ =	shalt  }
0x62: {  	_ =	shalt  }
0x63: {  	_ =	shalt  }
0x64: {  	_ =	shalt  }
0x65: {  	_ =	shalt  }
0x66: {  	_ =	shalt  }
0x67: {  	_ =	shalt  }
0x68: {  	_ =	shalt  }
0x69: {  	_ =	shalt  }
0x6a: {  	_ =	shalt  }
0x6b: {  	_ =	shalt  }
0x6c: {  	_ =	shalt  }
0x6d: {  	_ =	shalt  }
0x6e: {  	_ =	shalt  }
0x6f: {  	_ =	shalt  }
0x70: {  	_ =	shalt  }
0x71: {  	_ =	shalt  }
0x72: {  	_ =	shalt  }
0x73: {  	_ =	shalt  }
0x74: {  	_ =	shalt  }
0x75: {  	_ =	shalt  }
0x76: {  	_ =	shalt  }
0x77: {  	_ =	shalt  }
0x78: {  	_ =	shalt  }
0x79: {  	_ =	shalt  }
0x7a: {  	_ =	shalt  }
0x7b: {  	_ =	shalt  }
0x7c: {  	_ =	shalt  }
0x7d: {  	_ =	shalt  }
0x7e: {  	_ =	shalt  }
0x7f: {  	_ =	shalt  }
0x80: {  	_ =	shalt  }
0x81: {  	_ =	shalt  }
0x82: {  	_ =	shalt  }
0x83: {  	_ =	shalt  }
0x84: {  	_ =	shalt  }
0x85: {  	_ =	shalt  }
0x86: {  	_ =	shalt  }
0x87: {  	_ =	shalt  }
.Lfunc_end0:
.L_simem_size_0:
called_computation.2_lowered:
.L_overlay_start_0:
0x88: {  	s2 =	sld [smem:$0x3FD9]  }
0x89: {  	s3 =	sld [smem:$0x3FFE];
	_ =	sdelay $0x1  }
0x8a: {  	s1 =	srdreg.scid  }
0x8b: {  	s0 =	sand.u32 $0x1, s1  }
0x8c: {  	s17 =	sshll.u32 s0, $0xA;
	s2 =	sadd.s32 s3, s2  }
0x8d: {  	s2 =	sadd.s32 s2, s17  }
0x8e: {  	[smem:$0x3FC4] =	sst s2  }
0x8f: {  	_ = 	snop  }
0x90: {  	s2 =	sld [smem:$0x3FD0];
	(tm) =	ssettm $0x1  }
0x91: {  	s18 =	sld [smem:$0x3FFB];
	_ =	sdelay $0x3  }
0x92: {  	_ =	strace s18  }
0x93: {  	s3 =	sld [smem:$0x3FFC];
	_ =	sdelay $0x3  }
0x94: {  	_ =	strace s3  }
0x95: {  	s3 =	sld [smem:$0x3FFD];
	_ =	sdelay $0x3  }
0x96: {  	_ =	strace s3  }
0x97: {  	_ =	strace $0x8FFFFFFF  }
0x98: {  	s19 =	sld [smem:$0x3FDB];
	_ =	sdelay $0x1  }
0x99: {  	s4 =	simm.s32 $_scs_section_size  }
0x9a: {  	s5 =	simm.s32 $_size__tile_overlayer_lowered;
	s6 =	simm.s32 $_tile_overlayer_lowered  }
0x9b: {  	s22 =	simm.s32 $0x1BFF;
	s21 =	sshll.u32 s6, $0x1;
	s3 =	sadd.s32 s4, s19  }
0x9c: {  	s7 =	simm.s32 $0x0;
	s20 =	sshll.u32 s5, $0x1;
	s5 =	sadd.s32 s21, s3  }
0x9d: {  	[timem:s7], [sflag:s22] =	dma.local [hbm:s5], s20  }
0x9e: {  	_ =	swait.ge [sflag:s22], s20  }
0x9f: {  	s4 =	ssub.s32 $0x0, s20;
	[sflag:s22] =	ssyncset.done $0x0  }
0xa0: {  	[sflag:s22] =	ssyncadd.s32 s4;
	_ =	sdelay $0x1  }
0xa1: {  	s23 =	simm.s32 $0x1B8B  }
0xa2: {  	_ =	swait.ge [sflag:s23], $0x1  }
0xa3: {  	[sflag:s23] =	ssyncset.done $0x0  }
0xa4: {  	s25 =	simm.s32 $0x1B8E;
	s24 =	sld [smem:$0x3FFE];
	[sflag:s23] =	ssyncadd.s32 $0xFFFFFFFF  }
0xa5: {  	s26 =	simm.s32 $execute0_lowered;
	[smem:$0x3FD2] =	sst s25  }
0xa6: {  	s5 =	sshll.u32 s26, $0x1;
	_ =	strace $0x8000004C;
	[dreg:$0x1] =	wrdreg $0xFFFFFFFF  }
0xa7: {  	s28 =	simm.s32 $_size_execute0_lowered;
	s3 =	sadd.s32 s3, s5;
	[dreg:$0x0] =	wrdreg $0x0  }
0xa8: {  	s5 =	sshll.u32 s28, $0x1;
	[dreg:$0x2] =	wrdreg s3  }
0xa9: {  	[dreg:$0x3] =	wrdreg s5  }
0xaa: {  	[dreg:$0x4] =	wrdreg $0xC0  }
0xab: {  	_ =	task [dreg:s7], $0x5FFFF  }
0xac: {  	[dreg:$0x1] =	wrdreg $0xFFFFFFFF  }
0xad: {  	[dreg:$0x0] =	wrdreg $0x60  }
0xae: {  	[dreg:$0x2] =	wrdreg s24  }
0xaf: {  	[dreg:$0x3] =	wrdreg s2  }
0xb0: {  	[dreg:$0x4] =	wrdreg $0x82000  }
0xb1: {  	[dreg:$0x5] =	wrdreg $0x9  }
0xb2: {  	_ =	task.clear_ibuf [dreg:s7], $0x6FFFF;
	_ =	strace $0x9000004C  }
0xb3: {  	s29 =	simm.s32 $0x9;
	_ =	strace $0x8000004E  }
0xb4: {  	_ =	swait.ge [sflag:s29], $0x1  }
0xb5: {  	[sflag:s29] =	ssyncadd.s32 $0xFFFFFFFF  }
0xb6: {  	_ =	strace $0x9000004E  }
0xb7: {  	_ =	sfence  }
0xb8: {  	s30 =	sld [smem:$0x0];
	_ =	sdelay $0x2  }
0xb9: {  	s31 =	sshll.u32 s1, $0xD;
	s1 =	sshrl.u32 s1, $0x2  }
0xba: {  	s3 =	sand.u32 $0x4000, s31;
	s1 =	sadd.s32 s1, s30  }
0xbb: {  	s0 =	sor.u32 s3, s0;
	s1 =	sshll.u32 s1, $0x11  }
0xbc: {  	s0 =	sor.u32 s1, s0  }
0xbd: {  	s0 =	sadd.s32 $0x8F2B, s0  }
0xbe: {  	[sflag:s0] =	ssyncadd.remote.s32 $0x1  }
0xbf: {  	_ =	sfence.sel $0xFFFF  }
0xc0: {  	[dreg:$0x0] =	wrdreg $0xFFFFFFFF;
	(pc) =	sbr.abs _section_cstart, $3  }
0xc1: {  	[dreg:$0x1] =	wrdreg $0xFFFFFFFF  }
0xc2: {  	_ =	task.clear_ibuf [dreg:s7], $0x2FFFF;
	_ =	strace $0x9FFFFFFF  }
0xc3: {  	(tm) =	ssettm $0x7FFFFFFF  }
tec
execute0_lowered:
.L_overlay_start_1:
0x0: {  	(tag) =	ssettag $0x1  }
0x1: {  	s0 =	rddreg [dreg:$0x0]  }
0x2: {  	s2 =	rddreg [dreg:$0x1]  }
0x3: {  	s1 =	rddreg [dreg:$0x2]  }
0x4: {  	s3 =	simm.s32 $0x0;
	s4 =	srdreg.scid;
	s12 =	stileid.u32  }
0x5: {  	s28 =	simm.s32 $0x6;
	s29 =	simm.s32 $0x4000;
	s7 =	smul.u32 $0x14000, s12  }
0x6: {  	s30 =	simm.s32 $0x1;
	s31 =	simm.s32 $0x2;
	s20 =	smul.u32 $0x50000, s12  }
0x7: {  	[smem:$0x7FF] =	sst s3;
	s6 =	sand.u32 $0x1, s4;
	s25 =	smul.u32 $0x2800, s12  }
0x8: {  	s4 =	sadd.s32 $0x16A00, s0;
	s8 =	sadd.s32 $0xCA00, s0;
	s5 =	smul.u32 $0x140000, s6  }
0x9: {  	_ =	strace $0x8000004D;
	s9 =	sshll.u32 s6, $0x4;
	s10 =	ssub.s32 $0x2, s6  }
0xa: {  	s6 =	smul.u32 $0x28000, s6;
	s19 =	sor.u32 s12, s9;
	s21 =	sshrl.u32 s10, $0x1  }
0xb: {  	s9 =	sshrl.u32 s20, $0x2;
	s20 =	simm.s32 $0x7;
	s5 =	sadd.s32 s7, s5  }
0xc: {  	s7 =	smul.u32 $0x2800, s19;
	s11 =	ssub.s32 s10, s21;
	s26 =	sadd.s32 s25, s6  }
0xd: {  	s21 =	simm.s32 $0x8000;
	s25 =	simm.s32 $0x8080;
	s5 =	sshrl.u32 s5, $0x3  }
0xe: {  	s11 =	smax.u32 s11, $0x1;
	s6 =	sor.u32 $0x180, s26;
	s0 =	sadd.s32 s5, s0  }
0xf: {  	s5 =	sadd.s32 s9, s1;
	s7 =	sshrl.u32 s7, $0x3;
	s6 =	sshrl.u32 s6, $0x3  }
0x10: {  	s22 =	sadd.s32 s2, s7;
	s23 =	sor.u32 $0x10, s7;
	s7 =	sadd.s32 s8, s7  }
0x11: {  	s10 =	sadd.s32 $0x3EA00, s0;
	s12 =	sadd.s32 $0x4000, s5;
	s13 =	sadd.s32 $0x8000, s5  }
0x12: {  	s14 =	sadd.s32 $0xC000, s5;
	s0 =	sor.u32 $0x100, s26;
	s15 =	sadd.s32 $0x10000, s5  }
0x13: {  	s16 =	sadd.s32 s6, s8;
	s17 =	sadd.s32 s6, s2;
	[dreg:$0x4] =	wrdreg s22  }
0x14: {  	s26 =	simm.s32 $0x8180;
	s6 =	simm.s32 $0x0;
	[dreg:$0x5] =	wrdreg s7  }
0x15: {  	s24 =	sadd.s32 s2, s23;
	s9 =	sadd.s32 s8, s23;
	s0 =	sshrl.u32 s0, $0x3  }
0x16: {  	s22 =	simm.s32 $0x8100;
	s23 =	simm.s32 $0x5;
	[dreg:$0x6] =	wrdreg s24  }
0x17: {  	[dreg:$0x7] =	wrdreg s9;
	s18 =	sadd.s32 s0, s8;
	s19 =	sadd.s32 s0, s2  }
0x18: {  	v0 =	vimm.f32 $0.0e+00;
	s24 =	simm.s32 $0x80;
	s0 =	simm.s32 $0x3;
	s2 =	simm.s32 $0x4  }
.LBB2_1:
0x19: {  	s7 =	simm.s32 $0x0;
	s8 =	simm.s32 $0x200  }
.LBB2_2:
0x1a: {  	p0 =	sne.s32 s8, $0xFE00;
	[tilespmem:s7+$0x70] =	vst v0  }
0x1b: {  	[tilespmem:s7+$0x0] =	vst v0  }
0x1c: {  	[tilespmem:s7+$0x10] =	vst v0  }
.Ltmp0:
0x1d: {  	[tilespmem:s7+$0x20] =	vst v0;
	(pc) =	sbr.rel @p0 .LBB2_2-.Ltmp0, $4  }
0x1e: {  	[tilespmem:s7+$0x30] =	vst v0  }
0x1f: {  	[tilespmem:s7+$0x40] =	vst v0  }
0x20: {  	[tilespmem:s7+$0x50] =	vst v0  }
0x21: {  	[tilespmem:s7+$0x60] =	vst v0;
	s7 =	sshra.s32 s8, $0x2;
	s8 =	sadd.s32 $0x200, s8  }
0x22: {  	[tilespmem:s7+$0x70] =	vst v0  }
0x23: {  	[tilespmem:s7+$0x0] =	vst v0  }
0x24: {  	[tilespmem:s7+$0x10] =	vst v0  }
0x25: {  	[tilespmem:s7+$0x20] =	vst v0  }
0x26: {  	[tilespmem:s7+$0x30] =	vst v0  }
0x27: {  	[tilespmem:s7+$0x40] =	vst v0  }
0x28: {  	[tilespmem:s7+$0x50] =	vst v0  }
0x29: {  	[tilespmem:s7+$0x60] =	vst v0;
	s7 =	simm.s32 $0x0  }
0x2a: {  	[spmem:s5] =	stream.linear.scatter [tilespmem:s7], [sflag:$0x7], $0x4000, $0x38;
	[tilespmem:$0x1C200] =	vst v63  }
0x2b: {  	_ =	swait.ge [sflag:s20], $0x4000  }
0x2c: {  	[sflag:s20] =	ssyncset.done $0x0  }
0x2d: {  	[sflag:s20] =	ssyncadd.s32 $0xFFFFC000  }
0x2e: {  	[spmem:s12] =	stream.linear.scatter [tilespmem:s7], [sflag:$0x7], $0x4000, $0x38;
	[tilespmem:$0x1C200] =	vst v63  }
0x2f: {  	_ =	swait.ge [sflag:s20], $0x4000  }
0x30: {  	[sflag:s20] =	ssyncset.done $0x0  }
0x31: {  	[sflag:s20] =	ssyncadd.s32 $0xFFFFC000  }
0x32: {  	[spmem:s13] =	stream.linear.scatter [tilespmem:s7], [sflag:$0x7], $0x4000, $0x38;
	[tilespmem:$0x1C200] =	vst v63  }
0x33: {  	_ =	swait.ge [sflag:s20], $0x4000  }
0x34: {  	[sflag:s20] =	ssyncset.done $0x0  }
0x35: {  	[sflag:s20] =	ssyncadd.s32 $0xFFFFC000  }
0x36: {  	[spmem:s14] =	stream.linear.scatter [tilespmem:s7], [sflag:$0x7], $0x4000, $0x38;
	[tilespmem:$0x1C200] =	vst v63  }
0x37: {  	_ =	swait.ge [sflag:s20], $0x4000  }
0x38: {  	[sflag:s20] =	ssyncset.done $0x0  }
0x39: {  	[sflag:s20] =	ssyncadd.s32 $0xFFFFC000  }
0x3a: {  	[spmem:s15] =	stream.linear.scatter [tilespmem:s7], [sflag:$0x7], $0x4000, $0x38;
	[tilespmem:$0x1C200] =	vst v63  }
0x3b: {  	_ =	swait.ge [sflag:s20], $0x4000  }
0x3c: {  	[sflag:s20] =	ssyncset.done $0x0  }
0x3d: {  	[sflag:s20] =	ssyncadd.s32 $0xFFFFC000  }
0x3e: {  	[bflag:$0x0] =	sbarrier.arrive $0xFFFF  }
0x3f: {  	s8 =	rddreg [dreg:$0x4]  }
0x40: {  	[tilespmem:s21], [sflag:$0x5] =	stream.linear.gather [hbm4b:s8+s7], $0x80, $0x38;
	[tilespmem:$0x1C200] =	vst v63  }
0x41: {  	s9 =	rddreg [dreg:$0x5]  }
0x42: {  	[tilespmem:s22], [sflag:$0x5] =	stream.linear.gather [hbm4b:s9+s7], $0x80, $0x38;
	[tilespmem:$0x1C200] =	vst v63  }
0x43: {  	_ =	swait.ge [sflag:s23], $0x80  }
0x44: {  	[sflag:s23] =	ssyncset.done $0x0  }
0x45: {  	[sflag:s23] =	ssyncadd.s32 $0xFFFFFF80  }
0x46: {  	_ =	swait.ge [sflag:s23], $0x80  }
0x47: {  	[sflag:s23] =	ssyncset.done $0x0  }
0x48: {  	[sflag:s23] =	ssyncadd.s32 $0xFFFFFF80  }
0x49: {  	[tilespmem:s7], [sflag:$0x1] =	stream.indirect.gather [hbm4b:s4+s24], $0x80, s21, s24, $0xb8;
	[tilespmem:$0x1C200] =	vst v63  }
0x4a: {  	s9 =	rddreg [dreg:$0x6]  }
0x4b: {  	[tilespmem:s25], [sflag:$0x6] =	stream.linear.gather [hbm4b:s9+s7], $0x80, $0x38;
	[tilespmem:$0x1C200] =	vst v63  }
0x4c: {  	s9 =	rddreg [dreg:$0x7]  }
0x4d: {  	[tilespmem:s26], [sflag:$0x6] =	stream.linear.gather [hbm4b:s9+s7], $0x80, $0x38;
	[tilespmem:$0x1C200] =	vst v63  }
0x4e: {  	_ =	swait.ge [sflag:s28], $0x80  }
0x4f: {  	[sflag:s28] =	ssyncset.done $0x0  }
0x50: {  	[sflag:s28] =	ssyncadd.s32 $0xFFFFFF80  }
0x51: {  	_ =	swait.ge [sflag:s28], $0x80  }
0x52: {  	[sflag:s28] =	ssyncset.done $0x0  }
0x53: {  	[sflag:s28] =	ssyncadd.s32 $0xFFFFFF80  }
0x54: {  	[tilespmem:s29], [sflag:$0x2] =	stream.indirect.gather [hbm4b:s4+s24], $0x80, s25, s24, $0xb8;
	[tilespmem:$0x1C200] =	vst v63  }
0x55: {  	_ =	swait.ge [sflag:s30], $0x4000  }
0x56: {  	[sflag:s30] =	ssyncset.done $0x0  }
0x57: {  	[sflag:s30] =	ssyncadd.s32 $0xFFFFC000  }
0x58: {  	[spmem:s1] =	stream.indirect.scatter.add.f32 [tilespmem:s3], [sflag:$0x3], $0x80, s22, s24, $0xb8;
	[tilespmem:$0x1C200] =	vst v63  }
0x59: {  	_ =	swait.ge [sflag:s31], $0x4000  }
0x5a: {  	[sflag:s31] =	ssyncset.done $0x0  }
0x5b: {  	[sflag:s31] =	ssyncadd.s32 $0xFFFFC000  }
0x5c: {  	[spmem:s1] =	stream.indirect.scatter.add.f32 [tilespmem:s29], [sflag:$0x4], $0x80, s26, s24, $0xb8;
	[tilespmem:$0x1C200] =	vst v63  }
0x5d: {  	_ =	swait.ge [sflag:s0], $0x4000  }
0x5e: {  	[sflag:s0] =	ssyncset.done $0x0  }
0x5f: {  	s8 =	sadd.s32 $0x0, s19;
	[sflag:s0] =	ssyncadd.s32 $0xFFFFC000  }
0x60: {  	[tilespmem:s21], [sflag:$0x5] =	stream.linear.gather [hbm4b:s8+s3], $0x80, $0x38;
	[tilespmem:$0x1C200] =	vst v63  }
0x61: {  	s9 =	sadd.s32 $0x0, s18  }
0x62: {  	[tilespmem:s22], [sflag:$0x5] =	stream.linear.gather [hbm4b:s9+s3], $0x80, $0x38;
	[tilespmem:$0x1C200] =	vst v63  }
0x63: {  	_ =	swait.ge [sflag:s23], $0x80  }
0x64: {  	[sflag:s23] =	ssyncset.done $0x0  }
0x65: {  	[sflag:s23] =	ssyncadd.s32 $0xFFFFFF80  }
0x66: {  	_ =	swait.ge [sflag:s23], $0x80  }
0x67: {  	[sflag:s23] =	ssyncset.done $0x0  }
0x68: {  	[sflag:s23] =	ssyncadd.s32 $0xFFFFFF80  }
0x69: {  	[tilespmem:s3], [sflag:$0x1] =	stream.indirect.gather [hbm4b:s4+s24], $0x80, s21, s24, $0xb8;
	[tilespmem:$0x1C200] =	vst v63  }
0x6a: {  	_ =	swait.ge [sflag:s2], $0x4000  }
0x6b: {  	[sflag:s2] =	ssyncset.done $0x0  }
0x6c: {  	s8 =	sadd.s32 $0x0, s17;
	[sflag:s2] =	ssyncadd.s32 $0xFFFFC000  }
0x6d: {  	[tilespmem:s25], [sflag:$0x6] =	stream.linear.gather [hbm4b:s8+s3], $0x80, $0x38;
	[tilespmem:$0x1C200] =	vst v63  }
0x6e: {  	s9 =	sadd.s32 $0x0, s16  }
0x6f: {  	[tilespmem:s26], [sflag:$0x6] =	stream.linear.gather [hbm4b:s9+s3], $0x80, $0x38;
	[tilespmem:$0x1C200] =	vst v63  }
0x70: {  	_ =	swait.ge [sflag:s28], $0x80  }
0x71: {  	[sflag:s28] =	ssyncset.done $0x0  }
0x72: {  	[sflag:s28] =	ssyncadd.s32 $0xFFFFFF80  }
0x73: {  	_ =	swait.ge [sflag:s28], $0x80  }
0x74: {  	[sflag:s28] =	ssyncset.done $0x0  }
0x75: {  	s7 =	simm.s32 $0x20;
	[sflag:s28] =	ssyncadd.s32 $0xFFFFFF80  }
.LBB2_4:
0x76: {  	[tilespmem:s29], [sflag:$0x2] =	stream.indirect.gather [hbm4b:s4+s24], $0x80, s25, s24, $0xb8;
	[tilespmem:$0x1C200] =	vst v63  }
0x77: {  	s8 =	smov.u32 s7  }
0x78: {  	p0 =	sne.s32 s7, $0x4C0;
	s7 =	sadd.s32 $0x20, s7;
	_ =	swait.ge [sflag:s30], $0x4000  }
0x79: {  	[sflag:s30] =	ssyncset.done $0x0  }
0x7a: {  	[sflag:s30] =	ssyncadd.s32 $0xFFFFC000  }
0x7b: {  	[spmem:s1] =	stream.indirect.scatter.add.f32 [tilespmem:s3], [sflag:$0x3], $0x80, s22, s24, $0xb8;
	[tilespmem:$0x1C200] =	vst v63  }
0x7c: {  	_ =	swait.ge [sflag:s31], $0x4000  }
0x7d: {  	[sflag:s31] =	ssyncset.done $0x0  }
0x7e: {  	[sflag:s31] =	ssyncadd.s32 $0xFFFFC000  }
0x7f: {  	[spmem:s1] =	stream.indirect.scatter.add.f32 [tilespmem:s29], [sflag:$0x4], $0x80, s26, s24, $0xb8;
	[tilespmem:$0x1C200] =	vst v63  }
0x80: {  	_ =	swait.ge [sflag:s0], $0x4000  }
0x81: {  	[sflag:s0] =	ssyncset.done $0x0  }
0x82: {  	s9 =	sadd.s32 s8, s19;
	[sflag:s0] =	ssyncadd.s32 $0xFFFFC000  }
0x83: {  	[tilespmem:s21], [sflag:$0x5] =	stream.linear.gather [hbm4b:s9+s3], $0x80, $0x38;
	[tilespmem:$0x1C200] =	vst v63  }
0x84: {  	s9 =	sadd.s32 s8, s18  }
0x85: {  	[tilespmem:s22], [sflag:$0x5] =	stream.linear.gather [hbm4b:s9+s3], $0x80, $0x38;
	[tilespmem:$0x1C200] =	vst v63  }
0x86: {  	_ =	swait.ge [sflag:s23], $0x80  }
0x87: {  	[sflag:s23] =	ssyncset.done $0x0  }
0x88: {  	[sflag:s23] =	ssyncadd.s32 $0xFFFFFF80  }
0x89: {  	_ =	swait.ge [sflag:s23], $0x80  }
0x8a: {  	[sflag:s23] =	ssyncset.done $0x0  }
0x8b: {  	[sflag:s23] =	ssyncadd.s32 $0xFFFFFF80  }
0x8c: {  	[tilespmem:s3], [sflag:$0x1] =	stream.indirect.gather [hbm4b:s4+s24], $0x80, s21, s24, $0xb8;
	[tilespmem:$0x1C200] =	vst v63  }
0x8d: {  	_ =	swait.ge [sflag:s2], $0x4000  }
0x8e: {  	[sflag:s2] =	ssyncset.done $0x0  }
0x8f: {  	s9 =	sadd.s32 s8, s17;
	[sflag:s2] =	ssyncadd.s32 $0xFFFFC000  }
0x90: {  	[tilespmem:s25], [sflag:$0x6] =	stream.linear.gather [hbm4b:s9+s3], $0x80, $0x38;
	[tilespmem:$0x1C200] =	vst v63  }
0x91: {  	s8 =	sadd.s32 s8, s16  }
0x92: {  	[tilespmem:s26], [sflag:$0x6] =	stream.linear.gather [hbm4b:s8+s3], $0x80, $0x38;
	[tilespmem:$0x1C200] =	vst v63  }
0x93: {  	_ =	swait.ge [sflag:s28], $0x80  }
.Ltmp1:
0x94: {  	[sflag:s28] =	ssyncset.done $0x0;
	(pc) =	sbr.rel @p0 .LBB2_4-.Ltmp1, $4  }
0x95: {  	[sflag:s28] =	ssyncadd.s32 $0xFFFFFF80  }
0x96: {  	_ =	swait.ge [sflag:s28], $0x80  }
0x97: {  	[sflag:s28] =	ssyncset.done $0x0  }
0x98: {  	[sflag:s28] =	ssyncadd.s32 $0xFFFFFF80  }
0x99: {  	[tilespmem:s29], [sflag:$0x2] =	stream.indirect.gather [hbm4b:s4+s24], $0x80, s25, s24, $0xb8;
	[tilespmem:$0x1C200] =	vst v63  }
0x9a: {  	_ =	swait.ge [sflag:s30], $0x4000  }
0x9b: {  	[sflag:s30] =	ssyncset.done $0x0  }
0x9c: {  	[sflag:s30] =	ssyncadd.s32 $0xFFFFC000  }
0x9d: {  	[spmem:s1] =	stream.indirect.scatter.add.f32 [tilespmem:s3], [sflag:$0x3], $0x80, s22, s24, $0xb8;
	[tilespmem:$0x1C200] =	vst v63  }
0x9e: {  	_ =	swait.ge [sflag:s31], $0x4000  }
0x9f: {  	[sflag:s31] =	ssyncset.done $0x0  }
0xa0: {  	[sflag:s31] =	ssyncadd.s32 $0xFFFFC000  }
0xa1: {  	[spmem:s1] =	stream.indirect.scatter.add.f32 [tilespmem:s29], [sflag:$0x4], $0x80, s26, s24, $0xb8;
	[tilespmem:$0x1C200] =	vst v63  }
0xa2: {  	_ =	swait.ge [sflag:s0], $0x4000  }
0xa3: {  	[sflag:s0] =	ssyncset.done $0x0  }
0xa4: {  	[sflag:s0] =	ssyncadd.s32 $0xFFFFC000  }
0xa5: {  	s7 =	stileid.u32;
	_ =	swait.ge [sflag:s2], $0x4000  }
0xa6: {  	s8 =	sshrl.u32 s5, $0x3;
	s6 =	sadd.s32 $0x1, s6;
	[sflag:s2] =	ssyncset.done $0x0  }
0xa7: {  	s7 =	sshll.u32 s7, $0x6;
	p0 =	sne.s32 s6, s11;
	[sflag:s2] =	ssyncadd.s32 $0xFFFFC000  }
.Ltmp2:
0xa8: {  	s7 =	sor.u32 $0x1C07, s7;
	[bflag:$0x0] =	sbarrier.arrive $0xFFFF;
	(pc) =	sbr.rel @p0 .LBB2_1-.Ltmp2, $4  }
0xa9: {  	[hbm:s10], [sflag:s7] =	dma.local [spmem:s8], $0x2800  }
0xaa: {  	_ =	swait.ge [sflag:s20], $0x2800  }
0xab: {  	[sflag:s20] =	ssyncset.done $0x0  }
0xac: {  	[sflag:s20] =	ssyncadd.s32 $0xFFFFD800  }
0xad: {  	_ =	sfence.sel $0x180000  }
0xae: {  	[bflag:$0x0] =	sbarrier.arrive $0xFFFF  }
0xaf: {  	_ =	strace $0x9000004D  }
0xb0: {  	s0 =	stileid.u32;
	[bflag:$0x2] =	sbarrier.arrive $0xFFFF  }
0xb1: {  	p0 =	sne.s32 s0, $0x0;
	s0 =	rddreg [dreg:$0x3]  }
0xb2: {  	s0 =	sadd.s32 @!p0 $0x100000, s0  }
0xb3: {  	[sflag:s0] =	ssyncadd.tile.s32 @!p0 $0x1;
	_ =	shalt  }
.Lfunc_end2:
_tile_overlayer_lowered:
.L_overlay_start_2:
0xb4: {  	(tag) =	ssettag $0x2  }
0xb5: {  	s0 =	rddreg [dreg:$0x0];
	s2 =	stileid.u32  }
0xb6: {  	s1 =	rddreg [dreg:$0x1];
	p0 =	sne.s32 s2, $0x0  }
0xb7: {  	s3 =	rddreg [dreg:$0x2];
	[bflag:$0x3] =	sbarrier.arrive $0xFFFF;
	s2 =	simm.s32 @!p0 $0x1C07  }
0xb8: {  	[timem:s3], [sflag:s2] =	dma.local @!p0 [hbm:s0], s1  }
0xb9: {  	s0 =	simm.s32 @!p0 $0x7  }
0xba: {  	_ =	swait.ge @!p0 [sflag:s0], s1  }
0xbb: {  	s1 =	ssub.s32 @!p0 $0x0, s1;
	[sflag:s0] =	ssyncset.done @!p0 $0x0  }
0xbc: {  	[sflag:s0] =	ssyncadd.s32 @!p0 s1  }
0xbd: {  	[bflag:$0x3] =	sbarrier.arrive $0xFFFF  }
0xbe: {  	_ =	shalt  }

// kernel: kernel.8.cloned.1.call-start
scs
__scs_entry_jumppad:
0x0: {  	(pc) =	sbr.rel $0x88, $3  }
0x1: {  	(tag) =	ssettag $0x0;
	lr =	simm.s32 $0x1  }
0x2: {  	[smem:$0x3F9D] =	sst lr;
	_ =	strace $0xD0000000  }
0x3: {  	_ = 	snop  }
0x4: {  	_ = 	snop  }
0x5: {  	_ = 	snop  }
0x6: {  	_ = 	snop  }
0x7: {  	_ = 	snop  }
__scs_overlays_trampoline_lowered:
0x8: {  	[smem:$0x3FAC] =	sst s0  }
0x9: {  	[smem:$0x3FAD] =	sst s1  }
0xa: {  	[smem:$0x3FAE] =	sst s2  }
0xb: {  	[smem:$0x3FAF] =	sst s3  }
0xc: {  	[smem:$0x3FB0] =	sst s4  }
0xd: {  	[smem:$0x3FB1] =	sst s5  }
0xe: {  	[smem:$0x3FB2] =	sst s6  }
0xf: {  	[smem:$0x3FB3] =	sst s7  }
0x10: {  	[smem:$0x3FB4] =	sst s8  }
0x11: {  	[smem:$0x3FB5] =	sst s9;
	s0 =	simm.s32 @!p0 $0x0  }
0x12: {  	s1 =	sld [smem:$0x3F9B];
	s0 =	simm.s32 @p0 $0x1  }
0x13: {  	[smem:$0x3FB6] =	sst s0;
	s0 =	simm.s32 @!p1 $0x0  }
0x14: {  	s2 =	sld [smem:$0x3F9A];
	s0 =	simm.s32 @p1 $0x1  }
0x15: {  	[smem:$0x3FB7] =	sst s0;
	s0 =	simm.s32 @!p2 $0x0  }
0x16: {  	s3 =	sld [smem:$0x3FDB];
	s0 =	simm.s32 @p2 $0x1  }
0x17: {  	s4 =	simm.s32 $0x1BF5;
	[smem:$0x3FB9] =	sst s0  }
0x18: {  	s0 =	sld [smem:$0x3F9C];
	_ =	swait.ge [sflag:s4], $0x0  }
0x19: {  	s7 =	sld [smem:$0x3F9D]  }
0x1a: {  	s8 =	sadd.s32 $0xFFFFE003, lr  }
0x1b: {  	s9 =	sadd.s32 $0xFFFFFEF7, lr;
	s5 =	simm.s32 $0xFFFFFFFF;
	p2 =	slt.u32 s8, $0xFFFFF086  }
0x1c: {  	p1 =	slt.u32 s9, $0xF7A;
	s5 =	simm.s32 @!p2 $0x0  }
0x1d: {  	s5 =	simm.s32 @p1 $0x1;
	p0 =	seq.s32 s7, s2  }
0x1e: {  	s7 =	smul.u32 @!p0 $0xF7A, s2;
	p2 =	seq.s32 @!p0 s5, $0x0  }
0x1f: {  	s9 =	smul.u32 $0xF7A, s1;
	s8 =	simm.s32 @!p0 $0x1BF5;
	p2 =	por !p2, p0  }
0x20: {  	[sflag:s8] =	ssyncset.s32 @!p0 $0xFFFFF086;
	s6 =	sadd.s32 @!p0 s3, s7;
	s7 =	simm.s32 @!p0 $0x108  }
0x21: {  	s3 =	sadd.s32 s3, s9;
	s6 =	sadd.s32 @!p0 $0x88, s6;
	s7 =	simm.s32 @p2 $0x1082  }
0x22: {  	[simem:s7], [sflag:s8] =	dma.local @!p0 [hbm:s6], $0xF7A  }
0x23: {  	s9 =	sor.u32 $0xD0000000, s2;
	s6 =	simm.s32 $0x108;
	_ =	swait.ge @!p0 [sflag:s8], $0x0  }
0x24: {  	s3 =	sadd.s32 $0x88, s3;
	s6 =	simm.s32 @!p1 $0x1082;
	[sflag:s4] =	ssyncset.s32 $0xFFFFF086  }
0x25: {  	[simem:s6], [sflag:s4] =	dma.local [hbm:s3], $0xF7A  }
0x26: {  	[smem:$0x3F9D] =	sst s1;
	(tag) =	ssettag s2;
	_ =	strace s9  }
0x27: {  	s1 =	sld [smem:$0x3FAD]  }
0x28: {  	s2 =	sld [smem:$0x3FAE]  }
0x29: {  	s4 =	sld [smem:$0x3FB0]  }
0x2a: {  	p0 =	seq.s32 s5, $0x0;
	s5 =	sld [smem:$0x3FB1]  }
0x2b: {  	s6 =	sld [smem:$0x3FB2]  }
0x2c: {  	s7 =	sld [smem:$0x3FB3]  }
0x2d: {  	s3 =	simm.s32 $0x108;
	s8 =	sld [smem:$0x3FB4]  }
0x2e: {  	s3 =	simm.s32 @!p0 $0x1082;
	s9 =	sld [smem:$0x3FB5]  }
0x2f: {  	lr =	sadd.s32 s0, s3;
	s0 =	sld [smem:$0x3FAC]  }
0x30: {  	s3 =	sld [smem:$0x3FAF]  }
0x31: {  	[smem:$0x3FB8] =	sst s10  }
0x32: {  	s10 =	sld [smem:$0x3FB6];
	_ =	sdelay $0x3  }
0x33: {  	p0 =	seq.s32 s10, $0x1;
	s10 =	sld [smem:$0x3FB8];
	_ =	sdelay $0x3  }
0x34: {  	[smem:$0x3FB8] =	sst s10  }
0x35: {  	s10 =	sld [smem:$0x3FB7];
	_ =	sdelay $0x3  }
0x36: {  	p1 =	seq.s32 s10, $0x1;
	s10 =	sld [smem:$0x3FB8];
	_ =	sdelay $0x3  }
0x37: {  	[smem:$0x3FB8] =	sst s10  }
0x38: {  	s10 =	sld [smem:$0x3FB9]  }
0x39: {  	_ = 	snop;
	(pc) =	sbr.ind lr, $3  }
0x3a: {  	_ = 	snop  }
0x3b: {  	_ = 	snop  }
0x3c: {  	p2 =	seq.s32 s10, $0x1;
	s10 =	sld [smem:$0x3FB8]  }
0x3d: {  	_ =	shalt  }
0x3e: {  	_ =	shalt  }
0x3f: {  	_ =	shalt  }
0x40: {  	_ =	shalt  }
0x41: {  	_ =	shalt  }
0x42: {  	_ =	shalt  }
0x43: {  	_ =	shalt  }
0x44: {  	_ =	shalt  }
0x45: {  	_ =	shalt  }
0x46: {  	_ =	shalt  }
0x47: {  	_ =	shalt  }
0x48: {  	_ =	shalt  }
0x49: {  	_ =	shalt  }
0x4a: {  	_ =	shalt  }
0x4b: {  	_ =	shalt  }
0x4c: {  	_ =	shalt  }
0x4d: {  	_ =	shalt  }
0x4e: {  	_ =	shalt  }
0x4f: {  	_ =	shalt  }
0x50: {  	_ =	shalt  }
0x51: {  	_ =	shalt  }
0x52: {  	_ =	shalt  }
0x53: {  	_ =	shalt  }
0x54: {  	_ =	shalt  }
0x55: {  	_ =	shalt  }
0x56: {  	_ =	shalt  }
0x57: {  	_ =	shalt  }
0x58: {  	_ =	shalt  }
0x59: {  	_ =	shalt  }
0x5a: {  	_ =	shalt  }
0x5b: {  	_ =	shalt  }
0x5c: {  	_ =	shalt  }
0x5d: {  	_ =	shalt  }
0x5e: {  	_ =	shalt  }
0x5f: {  	_ =	shalt  }
0x60: {  	_ =	shalt  }
0x61: {  	_ =	shalt  }
0x62: {  	_ =	shalt  }
0x63: {  	_ =	shalt  }
0x64: {  	_ =	shalt  }
0x65: {  	_ =	shalt  }
0x66: {  	_ =	shalt  }
0x67: {  	_ =	shalt  }
0x68: {  	_ =	shalt  }
0x69: {  	_ =	shalt  }
0x6a: {  	_ =	shalt  }
0x6b: {  	_ =	shalt  }
0x6c: {  	_ =	shalt  }
0x6d: {  	_ =	shalt  }
0x6e: {  	_ =	shalt  }
0x6f: {  	_ =	shalt  }
0x70: {  	_ =	shalt  }
0x71: {  	_ =	shalt  }
0x72: {  	_ =	shalt  }
0x73: {  	_ =	shalt  }
0x74: {  	_ =	shalt  }
0x75: {  	_ =	shalt  }
0x76: {  	_ =	shalt  }
0x77: {  	_ =	shalt  }
0x78: {  	_ =	shalt  }
0x79: {  	_ =	shalt  }
0x7a: {  	_ =	shalt  }
0x7b: {  	_ =	shalt  }
0x7c: {  	_ =	shalt  }
0x7d: {  	_ =	shalt  }
0x7e: {  	_ =	shalt  }
0x7f: {  	_ =	shalt  }
0x80: {  	_ =	shalt  }
0x81: {  	_ =	shalt  }
0x82: {  	_ =	shalt  }
0x83: {  	_ =	shalt  }
0x84: {  	_ =	shalt  }
0x85: {  	_ =	shalt  }
0x86: {  	_ =	shalt  }
0x87: {  	_ =	shalt  }
.Lfunc_end0:
.L_simem_size_0:
called_computation_lowered:
.L_overlay_start_0:
0x88: {  	s2 =	sld [smem:$0x3FD9]  }
0x89: {  	s3 =	sld [smem:$0x3FFE];
	_ =	sdelay $0x1  }
0x8a: {  	s1 =	srdreg.scid  }
0x8b: {  	s0 =	sand.u32 $0x1, s1  }
0x8c: {  	s16 =	sshll.u32 s0, $0xA;
	s2 =	sadd.s32 s3, s2  }
0x8d: {  	s2 =	sadd.s32 s2, s16  }
0x8e: {  	[smem:$0x3FC4] =	sst s2  }
0x8f: {  	_ = 	snop  }
0x90: {  	(tm) =	ssettm $0x1  }
0x91: {  	s17 =	sld [smem:$0x3FFB];
	_ =	sdelay $0x3  }
0x92: {  	_ =	strace s17  }
0x93: {  	s2 =	sld [smem:$0x3FFC];
	_ =	sdelay $0x3  }
0x94: {  	_ =	strace s2  }
0x95: {  	s2 =	sld [smem:$0x3FFD];
	_ =	sdelay $0x3  }
0x96: {  	_ =	strace s2  }
0x97: {  	_ =	strace $0x8FFFFFFF  }
0x98: {  	s18 =	sld [smem:$0x3FDB];
	_ =	sdelay $0x1  }
0x99: {  	s19 =	simm.s32 $_scs_section_size  }
0x9a: {  	s4 =	simm.s32 $_size__tile_overlayer_lowered;
	s5 =	simm.s32 $_tile_overlayer_lowered  }
0x9b: {  	s22 =	simm.s32 $0x1BFF;
	s21 =	sshll.u32 s5, $0x1;
	s2 =	sadd.s32 s19, s18  }
0x9c: {  	s6 =	simm.s32 $0x0;
	s20 =	sshll.u32 s4, $0x1;
	s4 =	sadd.s32 s21, s2  }
0x9d: {  	[timem:s6], [sflag:s22] =	dma.local [hbm:s4], s20  }
0x9e: {  	_ =	swait.ge [sflag:s22], s20  }
0x9f: {  	s3 =	ssub.s32 $0x0, s20;
	[sflag:s22] =	ssyncset.done $0x0  }
0xa0: {  	[sflag:s22] =	ssyncadd.s32 s3;
	_ =	sdelay $0x1  }
0xa1: {  	s23 =	simm.s32 $0x1B8B  }
0xa2: {  	_ =	swait.ge [sflag:s23], $0x1  }
0xa3: {  	[sflag:s23] =	ssyncset.done $0x0  }
0xa4: {  	s25 =	simm.s32 $0x1B8E;
	s24 =	sld [smem:$0x3FFE];
	[sflag:s23] =	ssyncadd.s32 $0xFFFFFFFF  }
0xa5: {  	s26 =	simm.s32 $execute0_lowered;
	[smem:$0x3FD2] =	sst s25  }
0xa6: {  	s4 =	sshll.u32 s26, $0x1;
	_ =	strace $0x80000046;
	[dreg:$0x1] =	wrdreg $0xFFFFFFFF  }
0xa7: {  	s28 =	simm.s32 $_size_execute0_lowered;
	s2 =	sadd.s32 s2, s4;
	[dreg:$0x0] =	wrdreg $0x0  }
0xa8: {  	s4 =	sshll.u32 s28, $0x1;
	[dreg:$0x2] =	wrdreg s2  }
0xa9: {  	[dreg:$0x3] =	wrdreg s4  }
0xaa: {  	[dreg:$0x4] =	wrdreg $0xC0  }
0xab: {  	_ =	task [dreg:s6], $0x5FFFF  }
0xac: {  	[dreg:$0x1] =	wrdreg $0xFFFFFFFF  }
0xad: {  	[dreg:$0x0] =	wrdreg $0x60  }
0xae: {  	[dreg:$0x2] =	wrdreg s24  }
0xaf: {  	[dreg:$0x3] =	wrdreg $0x77800  }
0xb0: {  	[dreg:$0x4] =	wrdreg $0x9  }
0xb1: {  	_ =	task.clear_ibuf [dreg:s6], $0x5FFFF;
	_ =	strace $0x90000046  }
0xb2: {  	s29 =	simm.s32 $0x9;
	_ =	strace $0x80000048  }
0xb3: {  	_ =	swait.ge [sflag:s29], $0x1  }
0xb4: {  	[sflag:s29] =	ssyncadd.s32 $0xFFFFFFFF  }
0xb5: {  	_ =	strace $0x90000048  }
0xb6: {  	_ =	sfence  }
0xb7: {  	s30 =	sld [smem:$0x0];
	_ =	sdelay $0x2  }
0xb8: {  	s31 =	sshll.u32 s1, $0xD;
	s1 =	sshrl.u32 s1, $0x2  }
0xb9: {  	s3 =	sand.u32 $0x4000, s31;
	s1 =	sadd.s32 s1, s30  }
0xba: {  	s0 =	sor.u32 s3, s0;
	s1 =	sshll.u32 s1, $0x11  }
0xbb: {  	s0 =	sor.u32 s1, s0  }
0xbc: {  	s0 =	sadd.s32 $0x8F2B, s0  }
0xbd: {  	[sflag:s0] =	ssyncadd.remote.s32 $0x1  }
0xbe: {  	_ =	sfence.sel $0xFFFF  }
0xbf: {  	[dreg:$0x0] =	wrdreg $0xFFFFFFFF;
	(pc) =	sbr.abs _section_cstart, $3  }
0xc0: {  	[dreg:$0x1] =	wrdreg $0xFFFFFFFF  }
0xc1: {  	_ =	task.clear_ibuf [dreg:s6], $0x2FFFF;
	_ =	strace $0x9FFFFFFF  }
0xc2: {  	(tm) =	ssettm $0x7FFFFFFF  }
0xc3: {  	_ =	shalt  }
tec
execute0_lowered:
.L_overlay_start_1:
0x0: {  	(tag) =	ssettag $0x1  }
0x1: {  	s0 =	srdreg.scid;
	s3 =	rddreg [dreg:$0x0]  }
0x2: {  	s1 =	rddreg [dreg:$0x1];
	s6 =	stileid.u32;
	s2 =	simm.s32 $0x0  }
0x3: {  	s10 =	simm.s32 $0x0;
	s4 =	sand.u32 $0x1, s0;
	s0 =	rddreg [dreg:$0x2]  }
0x4: {  	[smem:$0x7FF] =	sst s2;
	p0 =	sne.s32 s6, $0x0;
	s5 =	sshll.u32 s4, $0x4  }
0x5: {  	s4 =	ssub.s32 $0x2, s4;
	_ =	strace $0x80000047;
	s7 =	sor.u32 s6, s5  }
0x6: {  	s9 =	sshrl.u32 @!p0 s1, $0x3;
	s8 =	sshrl.u32 s4, $0x1;
	s7 =	smul.u32 $0x4E2, s7  }
0x7: {  	s5 =	sadd.s32 s5, s3;
	s6 =	simm.s32 $0x1;
	s8 =	ssub.s32 s4, s8  }
0x8: {  	s4 =	sadd.s32 $0xC000, s5;
	s5 =	smax.u32 s8, $0x1;
	s7 =	sadd.s32 s7, s3  }
0x9: {  	v0 =	vimm.f32 $1.000000000e+00;
	v1 =	vimm.f32 $0.0e+00;
	s8 =	simm.s32 $0x2780;
	s3 =	sadd.s32 $0x2200, s7;
	s7 =	simm.s32 $0x2710  }
.LBB2_1:
0xa: {  	s11 =	simm.s32 $0x40;
	s12 =	simm.s32 $0x0  }
.LBB2_2:
0xb: {  	p1 =	sne.s32 s11, $0x9FC0;
	[tilespmem:s12+$0x2780] =	vst v0;
	s13 =	smov.u32 s11;
	s11 =	sadd.s32 $0x40, s11  }
.Ltmp0:
0xc: {  	[tilespmem:s12+$0x4F80] =	vst v1;
	(pc) =	sbr.rel @p1 .LBB2_2-.Ltmp0, $2  }
0xd: {  	_ =	sdelay $0x2  }
0xe: {  	s12 =	sshra.s32 s13, $0x2  }
0xf: {  	[tilespmem:s12+$0x2780] =	vst v0  }
0x10: {  	[tilespmem:s12+$0x4F80] =	vst v1;
	s11 =	simm.s32 @!p0 $0x4F80  }
0x11: {  	[spmem:s1] =	stream.linear.scatter @!p0 [tilespmem:s11], [sflag:$0x1], $0x2800, $0x38;
	[tilespmem:$0x7A00] =	vst v63  }
0x12: {  	s11 =	simm.s32 @!p0 $0x1  }
0x13: {  	_ =	swait.ge @!p0 [sflag:s11], $0x2800  }
0x14: {  	[sflag:s11] =	ssyncset.done @!p0 $0x0  }
0x15: {  	[sflag:s11] =	ssyncadd.s32 @!p0 $0xFFFFD800  }
0x16: {  	[bflag:$0x0] =	sbarrier.arrive $0xFFFF  }
0x17: {  	[tilespmem:s2], [sflag:$0x1] =	stream.linear.gather [hbm4b:s3+s2], $0x2710, $0x38;
	[tilespmem:$0x7A00] =	vst v63  }
0x18: {  	_ =	swait.ge [sflag:s6], $0x2710  }
0x19: {  	[sflag:s6] =	ssyncset.done $0x0  }
0x1a: {  	[sflag:s6] =	ssyncadd.s32 $0xFFFFD8F0  }
0x1b: {  	[spmem:s1] =	stream.indirect.scatter.add.f32 [tilespmem:s8], [sflag:$0x1], $0x1, s2, s7, $0xb8;
	[tilespmem:$0x7A00] =	vst v63  }
0x1c: {  	_ =	swait.ge [sflag:s6], $0x2710  }
0x1d: {  	s12 =	simm.s32 @!p0 $0x20;
	s10 =	sadd.s32 $0x1, s10;
	[sflag:s6] =	ssyncset.done $0x0  }
0x1e: {  	s13 =	simm.s32 @!p0 $0x10;
	p1 =	sne.s32 s10, s5;
	[sflag:s6] =	ssyncadd.s32 $0xFFFFD8F0  }
.Ltmp1:
0x1f: {  	s14 =	simm.s32 @!p0 $0x1C01;
	[bflag:$0x0] =	sbarrier.arrive $0xFFFF;
	(pc) =	sbr.rel @p1 .LBB2_1-.Ltmp1, $4  }
0x20: {  	[hbm:s4@s12], [sflag:s14] =	dma.strided @!p0 [spmem:s9@s13], $0x500, s11, $0x10   }
0x21: {  	_ =	swait.ge @!p0 [sflag:s11], $0x500  }
0x22: {  	[sflag:s11] =	ssyncset.done @!p0 $0x0  }
0x23: {  	[sflag:s11] =	ssyncadd.s32 @!p0 $0xFFFFFB00  }
0x24: {  	_ =	sfence.sel $0x180000  }
0x25: {  	[bflag:$0x0] =	sbarrier.arrive $0xFFFF  }
0x26: {  	_ =	strace $0x90000047  }
0x27: {  	s0 =	sadd.s32 @!p0 $0x100000, s0;
	[bflag:$0x2] =	sbarrier.arrive $0xFFFF  }
0x28: {  	[sflag:s0] =	ssyncadd.tile.s32 @!p0 $0x1;
	_ =	shalt  }
.Lfunc_end2:
_tile_overlayer_lowered:
.L_overlay_start_2:
0x29: {  	(tag) =	ssettag $0x2  }
0x2a: {  	s0 =	rddreg [dreg:$0x0];
	s2 =	stileid.u32  }
0x2b: {  	s1 =	rddreg [dreg:$0x1];
	p0 =	sne.s32 s2, $0x0  }
0x2c: {  	s3 =	rddreg [dreg:$0x2];
	[bflag:$0x3] =	sbarrier.arrive $0xFFFF;
	s2 =	simm.s32 @!p0 $0x1C01  }
0x2d: {  	[timem:s3], [sflag:s2] =	dma.local @!p0 [hbm:s0], s1  }
0x2e: {  	s0 =	simm.s32 @!p0 $0x1  }
0x2f: {  	_ =	swait.ge @!p0 [sflag:s0], s1  }
0x30: {  	s1 =	ssub.s32 @!p0 $0x0, s1;
	[sflag:s0] =	ssyncset.done @!p0 $0x0  }
0x31: {  	[sflag:s0] =	ssyncadd.s32 @!p0 s1  }
0x32: {  	[bflag:$0x3] =	sbarrier.arrive $0xFFFF  }
0x33: {  	_ =	shalt  }

</sc_bundles>
